<compile_context>
chip_gen: v7x
topology: tpu7x:2x2x1
jax: 0.10.2.dev20260603
libtpu: 0.0.44.dev20260713+nightly
codegen_flags: <defaults>
</compile_context>

<pallas_src>
import dataclasses

import jax
import jax.numpy as jnp
from jax import lax
from jax.experimental import pallas as pl
from jax.experimental.pallas import tpu as pltpu
from jax.experimental.pallas import tpu_sc as plsc

_N = 4096
_MAXDEG = 64

_NT = 2560
_BR = 512

_NSC = _N - _NT
_L = 16
_NC, _NS = 2, 16
_NW = _NC * _NS
_RPW = _NSC // _NW
_RBLK = 4
_NBLK = _RPW // _RBLK
_UNROLL = 8


def _tc_body(rank_ref, c_ref, mask_ref, out_ref):
    i = pl.program_id(0)
    r = rank_ref[pl.ds(i * _BR, _BR)]
    rc = jnp.minimum(r, _MAXDEG - 1)
    g = jnp.full((_BR,), c_ref[0], dtype=jnp.float32)
    for k in range(1, _MAXDEG):
        g = jnp.where(rc == k, c_ref[k], g)
    out_ref[...] = g[:, None] * mask_ref[...]


def _tc_rows(rank, c, sparse_mask):
    return pl.pallas_call(
        _tc_body,
        grid=(_NT // _BR,),
        in_specs=[
            pl.BlockSpec((_N,), lambda i: (0,)),
            pl.BlockSpec(memory_space=pltpu.SMEM),
            pl.BlockSpec((_BR, _N), lambda i: (i, 0)),
        ],
        out_specs=pl.BlockSpec((_BR, _N), lambda i: (i, 0)),
        out_shape=jax.ShapeDtypeStruct((_NT, _N), jnp.float32),
    )(rank, c, sparse_mask)


def _sc_body(rank_hbm, c_hbm, mask_hbm, out_hbm,
             c_v, rank_v, g_v, in0, in1, out0, out1,
             sem_in0, sem_in1, sem_out0, sem_out1):
    wid = lax.axis_index("s") * _NC + lax.axis_index("c")
    base = _NT + wid * _RPW
    obase = wid * _RPW

    pltpu.sync_copy(c_hbm, c_v)
    pltpu.sync_copy(rank_hbm.at[pl.ds(base, _RPW)], rank_v)

    @pl.loop(0, _RPW, step=_L)
    def _(i):
        rc = jnp.minimum(rank_v[pl.ds(i, _L)], _MAXDEG - 1)
        g_v[pl.ds(i, _L)] = plsc.load_gather(c_v, [rc])

    sem_in = (sem_in0, sem_in1)
    sem_out = (sem_out0, sem_out1)
    in_bufs = (in0, in1)
    out_bufs = (out0, out1)

    def mrows(blk):
        return pl.ds(base + blk * _RBLK, _RBLK)

    def orows(blk):
        return pl.ds(obase + blk * _RBLK, _RBLK)

    pltpu.async_copy(mask_hbm.at[mrows(0)], in_bufs[0], sem_in[0])
    pltpu.async_copy(mask_hbm.at[mrows(1)], in_bufs[1], sem_in[1])

    @pl.loop(0, _NBLK, step=2)
    def _(blk0):
        for b in (0, 1):
            blk = blk0 + b
            pltpu.make_async_copy(mask_hbm.at[mrows(blk)], in_bufs[b],
                                  sem_in[b]).wait()

            @pl.when(blk >= 2)
            def _():
                pltpu.make_async_copy(out_bufs[b], out_hbm.at[orows(blk)],
                                      sem_out[b]).wait()

            for row in range(_RBLK):
                ridx = blk * _RBLK + row
                gvec = plsc.load_gather(
                    g_v, [jnp.full((_L,), ridx, jnp.int32)])
                src = in_bufs[b]
                dst = out_bufs[b]

                @pl.loop(0, _N, step=_L * _UNROLL)
                def _(c0):
                    for u in range(_UNROLL):
                        sl = pl.ds(c0 + u * _L, _L)
                        dst[row, sl] = gvec * src[row, sl]

            pltpu.async_copy(out_bufs[b], out_hbm.at[orows(blk)], sem_out[b])

            @pl.when(blk + 2 < _NBLK)
            def _():
                pltpu.async_copy(mask_hbm.at[mrows(blk + 2)], in_bufs[b],
                                 sem_in[b])

    for b in (0, 1):
        blk = _NBLK - 2 + b
        pltpu.make_async_copy(out_bufs[b], out_hbm.at[orows(blk)],
                              sem_out[b]).wait()


def _sc_rows(rank, c, sparse_mask):
    mesh = plsc.VectorSubcoreMesh(core_axis_name="c", subcore_axis_name="s")
    cp = pltpu.CompilerParams()
    if "needs_layout_passes" in pltpu.CompilerParams.__dataclass_fields__:
        cp = dataclasses.replace(cp, needs_layout_passes=False)
    kern = pl.kernel(
        _sc_body,
        out_type=jax.ShapeDtypeStruct((_NSC, _N), jnp.float32),
        mesh=mesh,
        scratch_types=[
            pltpu.VMEM((_MAXDEG,), jnp.float32),
            pltpu.VMEM((_RPW,), jnp.int32),
            pltpu.VMEM((_RPW,), jnp.float32),
            pltpu.VMEM((_RBLK, _N), jnp.float32),
            pltpu.VMEM((_RBLK, _N), jnp.float32),
            pltpu.VMEM((_RBLK, _N), jnp.float32),
            pltpu.VMEM((_RBLK, _N), jnp.float32),
            pltpu.SemaphoreType.DMA,
            pltpu.SemaphoreType.DMA,
            pltpu.SemaphoreType.DMA,
            pltpu.SemaphoreType.DMA,
        ],
        compiler_params=cp,
    )
    return kern(rank, c, sparse_mask)


def kernel(x, rank, sparse_mask, c):
    del x
    top = _tc_rows(rank, c, sparse_mask)
    bottom = _sc_rows(rank, c, sparse_mask)
    return jnp.concatenate([top, bottom], axis=0)

# --- scband reference (transcript-rebuilt; emitter-appended) ---
"""Pipeline reference for scband-ego-encoding-40286793237184 (READ-ONLY COPY).

The authoritative reference and input builder live on the scoring server;
editing this copy changes nothing except your own understanding.
"""

import jax, jax.numpy as jnp
import numpy as np

MAX_DEGREE = 64
N = 4096
D = 256


def setup_inputs(seed: int = 0) -> dict:
    key = jax.random.key(seed)
    k1, k2, k3, k4 = jax.random.split(key, 4)
    x = jax.random.normal(k1, (N, D), dtype=jnp.float32)
    rank = jax.random.randint(k2, (N,), 0, 128, dtype=jnp.int32)
    sparse_mask = jax.random.uniform(k3, (N, N), dtype=jnp.float32)
    # learned parameter: centrality embedding table c of shape [max_degree]
    c = jax.random.normal(k4, (MAX_DEGREE,), dtype=jnp.float32)
    return {"x": x, "rank": rank, "sparse_mask": sparse_mask, "c": c}


def reference(x, rank, sparse_mask, c):
    # rank_clamped = torch.clamp(rank, max=self.max_degree - 1)
    rank_clamped = jnp.minimum(rank, MAX_DEGREE - 1)
    # central_matrix = self.c[rank_clamped].unsqueeze(1) * sparse_attention_mask
    gathered = jnp.take(c, rank_clamped, axis=0)  # [N]
    central_matrix = gathered[:, None] * sparse_mask  # [N, N]
    return central_matrix

if __name__ == "__main__":
    import jax
    _d = setup_inputs()
    print(jax.jit(kernel)(*tuple(_d.values())))

</pallas_src>

<mosaic_0001>
#map = affine_map<(d0, d1) -> (0)>
#map1 = affine_map<(d0, d1) -> (0, 0)>
module attributes {stable_mosaic.version = 14 : i64} {
  func.func @_sc_body(%arg0: i32, %arg1: i32, %arg2: memref<4096xi32, #tpu.memory_space<hbm>>, %arg3: memref<64xf32, #tpu.memory_space<hbm>>, %arg4: memref<4096x4096xf32, #tpu.memory_space<hbm>>, %arg5: memref<1536x4096xf32, #tpu.memory_space<hbm>>, %arg6: memref<64xf32, #tpu.memory_space<vmem>>, %arg7: memref<48xi32, #tpu.memory_space<vmem>>, %arg8: memref<48xf32, #tpu.memory_space<vmem>>, %arg9: memref<4x4096xf32, #tpu.memory_space<vmem>>, %arg10: memref<4x4096xf32, #tpu.memory_space<vmem>>, %arg11: memref<4x4096xf32, #tpu.memory_space<vmem>>, %arg12: memref<4x4096xf32, #tpu.memory_space<vmem>>, %arg13: memref<!tpu.dma_semaphore, #tpu.memory_space<semaphore_mem>>, %arg14: memref<!tpu.dma_semaphore, #tpu.memory_space<semaphore_mem>>, %arg15: memref<!tpu.dma_semaphore, #tpu.memory_space<semaphore_mem>>, %arg16: memref<!tpu.dma_semaphore, #tpu.memory_space<semaphore_mem>>) attributes {dimension_semantics = [#tpu.dimension_semantics<core_parallel>, #tpu.dimension_semantics<subcore_parallel>], iteration_bounds = array<i64: 2, 16>, scalar_prefetch = 0 : i64, scratch_operands = 11 : i64, tpu.core_type = #tpu.core_type<sc_vector_subcore>, window_params = [{transform_indices = #map}, {transform_indices = #map}, {transform_indices = #map1}, {transform_indices = #map1}]} {
    %mul3A = arith.constant 2 : i32
    %mul3A_0 = arith.muli %arg1, %mul3A : i32
    %add3A = arith.addi %mul3A_0, %arg0 : i32
    %mul3A_1 = arith.constant 48 : i32
    %mul3A_2 = arith.muli %add3A, %mul3A_1 : i32
    %add3A_3 = arith.constant 2560 : i32
    %add3A_4 = arith.addi %add3A_3, %mul3A_2 : i32
    %mul3A_5 = arith.constant 48 : i32
    %mul3A_6 = arith.muli %add3A, %mul3A_5 : i32
    "tpu.region"() ({
      %run_scoped3A = tpu.sem_alloc : memref<!tpu.dma_semaphore, #tpu.memory_space<semaphore_mem>>
      tpu.enqueue_dma source(%arg3 : memref<64xf32, #tpu.memory_space<hbm>>) target(%arg6 : memref<64xf32, #tpu.memory_space<vmem>>) target_semaphore(%run_scoped3A : memref<!tpu.dma_semaphore, #tpu.memory_space<semaphore_mem>>)
      tpu.wait_dma2 semaphore(%run_scoped3A : memref<!tpu.dma_semaphore, #tpu.memory_space<semaphore_mem>>) src(%arg3 : memref<64xf32, #tpu.memory_space<hbm>>) dst(%arg6 : memref<64xf32, #tpu.memory_space<vmem>>)
      tpu.yield
    }) : () -> ()
    "tpu.region"() ({
      %run_scoped3A = tpu.sem_alloc : memref<!tpu.dma_semaphore, #tpu.memory_space<semaphore_mem>>
      %dma_start3A_38 = tpu.memref_slice %arg2[%add3A_4] : memref<4096xi32, #tpu.memory_space<hbm>> -> memref<48xi32, #tpu.memory_space<hbm>>
      %dma_start3A_39 = tpu.memref_slice %arg2[%add3A_4] : memref<4096xi32, #tpu.memory_space<hbm>> -> memref<48xi32, #tpu.memory_space<hbm>>
      tpu.enqueue_dma source(%dma_start3A_39 : memref<48xi32, #tpu.memory_space<hbm>>) target(%arg7 : memref<48xi32, #tpu.memory_space<vmem>>) target_semaphore(%run_scoped3A : memref<!tpu.dma_semaphore, #tpu.memory_space<semaphore_mem>>)
      %dma_wait3A_40 = tpu.memref_slice %arg2[%add3A_4] : memref<4096xi32, #tpu.memory_space<hbm>> -> memref<48xi32, #tpu.memory_space<hbm>>
      %dma_wait3A_41 = tpu.memref_slice %arg2[%add3A_4] : memref<4096xi32, #tpu.memory_space<hbm>> -> memref<48xi32, #tpu.memory_space<hbm>>
      tpu.wait_dma2 semaphore(%run_scoped3A : memref<!tpu.dma_semaphore, #tpu.memory_space<semaphore_mem>>) src(%dma_wait3A_41 : memref<48xi32, #tpu.memory_space<hbm>>) dst(%arg7 : memref<48xi32, #tpu.memory_space<vmem>>)
      tpu.yield
    }) : () -> ()
    %scan3A = arith.constant 0 : i32
    %scan3A_7 = arith.constant 3 : i32
    %scan3A_8 = arith.addi %scan3A, %scan3A_7 : i32
    %scan3A_9 = arith.constant 1 : i32
    scf.for %scan3A_38 = %scan3A to %scan3A_8 step %scan3A_9  : i32 {
      %mul3A_39 = arith.constant 16 : i32
      %mul3A_40 = arith.muli %scan3A_38, %mul3A_39 : i32
      %add3A_41 = arith.constant 0 : i32
      %add3A_42 = arith.addi %add3A_41, %mul3A_40 : i32
      %get3A = arith.index_cast %add3A_42 : i32 to index
      %get3A_43 = tpu.vector_load %arg7[%get3A] {strides = array<i32>} : memref<48xi32, #tpu.memory_space<vmem>>, vector<16xi32>,
      %min3A = arith.constant 63 : i32
      %min3A_44 = vector.broadcast %min3A : i32 to vector<16xi32>
      %min3A_45 = arith.minsi %get3A_43, %min3A_44 : vector<16xi32>
      %gather3A = tpu.vector_load_idx %arg6[%min3A_45] : memref<64xf32, #tpu.memory_space<vmem>>[vector<16xi32>], vector<16xf32>,
      %swap3A = arith.index_cast %add3A_42 : i32 to index
      %swap3A_46 = tpu.vector_load %arg8[%swap3A] {strides = array<i32>} : memref<48xf32, #tpu.memory_space<vmem>>, vector<16xf32>,
      tpu.vector_store %arg8[%swap3A], %gather3A {strides = array<i32>} : memref<48xf32, #tpu.memory_space<vmem>>, vector<16xf32>,
    }
    %scan3A_10 = arith.constant 3 : i32
    %add3A_11 = arith.constant 0 : i32
    %add3A_12 = arith.addi %add3A_4, %add3A_11 : i32
    %dma_start3A = arith.constant 0 : i32
    %dma_start3A_13 = tpu.memref_slice %arg4[%add3A_12, %dma_start3A] : memref<4096x4096xf32, #tpu.memory_space<hbm>> -> memref<4x4096xf32, #tpu.memory_space<hbm>>
    %dma_start3A_14 = arith.constant 0 : i32
    %dma_start3A_15 = tpu.memref_slice %arg4[%add3A_12, %dma_start3A_14] : memref<4096x4096xf32, #tpu.memory_space<hbm>> -> memref<4x4096xf32, #tpu.memory_space<hbm>>
    tpu.enqueue_dma source(%dma_start3A_15 : memref<4x4096xf32, #tpu.memory_space<hbm>>) target(%arg9 : memref<4x4096xf32, #tpu.memory_space<vmem>>) target_semaphore(%arg13 : memref<!tpu.dma_semaphore, #tpu.memory_space<semaphore_mem>>)
    %add3A_16 = arith.constant 4 : i32
    %add3A_17 = arith.addi %add3A_4, %add3A_16 : i32
    %dma_start3A_18 = arith.constant 0 : i32
    %dma_start3A_19 = tpu.memref_slice %arg4[%add3A_17, %dma_start3A_18] : memref<4096x4096xf32, #tpu.memory_space<hbm>> -> memref<4x4096xf32, #tpu.memory_space<hbm>>
    %dma_start3A_20 = arith.constant 0 : i32
    %dma_start3A_21 = tpu.memref_slice %arg4[%add3A_17, %dma_start3A_20] : memref<4096x4096xf32, #tpu.memory_space<hbm>> -> memref<4x4096xf32, #tpu.memory_space<hbm>>
    tpu.enqueue_dma source(%dma_start3A_21 : memref<4x4096xf32, #tpu.memory_space<hbm>>) target(%arg10 : memref<4x4096xf32, #tpu.memory_space<vmem>>) target_semaphore(%arg14 : memref<!tpu.dma_semaphore, #tpu.memory_space<semaphore_mem>>)
    %scan3A_22 = arith.constant 0 : i32
    %scan3A_23 = arith.constant 6 : i32
    %scan3A_24 = arith.addi %scan3A_22, %scan3A_23 : i32
    %scan3A_25 = arith.constant 1 : i32
    scf.for %scan3A_38 = %scan3A_22 to %scan3A_24 step %scan3A_25  : i32 {
      %mul3A_39 = arith.constant 2 : i32
      %mul3A_40 = arith.muli %scan3A_38, %mul3A_39 : i32
      %add3A_41 = arith.constant 0 : i32
      %add3A_42 = arith.addi %add3A_41, %mul3A_40 : i32
      %add3A_43 = arith.constant 0 : i32
      %add3A_44 = arith.addi %add3A_42, %add3A_43 : i32
      %mul3A_45 = arith.constant 4 : i32
      %mul3A_46 = arith.muli %add3A_44, %mul3A_45 : i32
      %add3A_47 = arith.addi %add3A_4, %mul3A_46 : i32
      %dma_wait3A_48 = arith.constant 0 : i32
      %dma_wait3A_49 = tpu.memref_slice %arg4[%add3A_47, %dma_wait3A_48] : memref<4096x4096xf32, #tpu.memory_space<hbm>> -> memref<4x4096xf32, #tpu.memory_space<hbm>>
      %dma_wait3A_50 = arith.constant 0 : i32
      %dma_wait3A_51 = tpu.memref_slice %arg4[%add3A_47, %dma_wait3A_50] : memref<4096x4096xf32, #tpu.memory_space<hbm>> -> memref<4x4096xf32, #tpu.memory_space<hbm>>
      tpu.wait_dma2 semaphore(%arg13 : memref<!tpu.dma_semaphore, #tpu.memory_space<semaphore_mem>>) src(%dma_wait3A_51 : memref<4x4096xf32, #tpu.memory_space<hbm>>) dst(%arg9 : memref<4x4096xf32, #tpu.memory_space<vmem>>)
      %ge3A = arith.constant 2 : i32
      %ge3A_52 = arith.cmpi sge, %add3A_44, %ge3A : i32
      %convert_element_type3A = arith.extui %ge3A_52 : i1 to i32
      %cond3A = arith.constant 0 : i32
      %cond3A_53 = arith.cmpi ne, %convert_element_type3A, %cond3A : i32
      scf.if %cond3A_53 {
        %mul3A_181 = arith.constant 4 : i32
        %mul3A_182 = arith.muli %add3A_44, %mul3A_181 : i32
        %add3A_183 = arith.addi %mul3A_6, %mul3A_182 : i32
        %dma_wait3A_184 = arith.constant 0 : i32
        %dma_wait3A_185 = tpu.memref_slice %arg5[%add3A_183, %dma_wait3A_184] : memref<1536x4096xf32, #tpu.memory_space<hbm>> -> memref<4x4096xf32, #tpu.memory_space<hbm>>
        %dma_wait3A_186 = arith.constant 0 : i32
        %dma_wait3A_187 = tpu.memref_slice %arg5[%add3A_183, %dma_wait3A_186] : memref<1536x4096xf32, #tpu.memory_space<hbm>> -> memref<4x4096xf32, #tpu.memory_space<hbm>>
        tpu.wait_dma2 semaphore(%arg15 : memref<!tpu.dma_semaphore, #tpu.memory_space<semaphore_mem>>) src(%arg11 : memref<4x4096xf32, #tpu.memory_space<vmem>>) dst(%dma_wait3A_187 : memref<4x4096xf32, #tpu.memory_space<hbm>>)
      } else {
      }
      %mul3A_54 = arith.constant 4 : i32
      %mul3A_55 = arith.muli %add3A_44, %mul3A_54 : i32
      %add3A_56 = arith.constant 0 : i32
      %add3A_57 = arith.addi %mul3A_55, %add3A_56 : i32
      %broadcast_in_dim3A = vector.broadcast %add3A_57 : i32 to vector<16xi32>
      %gather3A = tpu.vector_load_idx %arg8[%broadcast_in_dim3A] : memref<48xf32, #tpu.memory_space<vmem>>[vector<16xi32>], vector<16xf32>,
      %scan3A_58 = arith.constant 0 : i32
      %scan3A_59 = arith.constant 32 : i32
      %scan3A_60 = arith.addi %scan3A_58, %scan3A_59 : i32
      %scan3A_61 = arith.constant 1 : i32
      scf.for %scan3A_181 = %scan3A_58 to %scan3A_60 step %scan3A_61  : i32 {
        %mul3A_182 = arith.constant 128 : i32
        %mul3A_183 = arith.muli %scan3A_181, %mul3A_182 : i32
        %add3A_184 = arith.constant 0 : i32
        %add3A_185 = arith.addi %add3A_184, %mul3A_183 : i32
        %add3A_186 = arith.constant 0 : i32
        %add3A_187 = arith.addi %add3A_185, %add3A_186 : i32
        %get3A = arith.constant 0 : i32
        %get3A_188 = arith.index_cast %get3A : i32 to index
        %get3A_189 = arith.index_cast %add3A_187 : i32 to index
        %get3A_190 = tpu.vector_load %arg9[%get3A_188, %get3A_189] {strides = array<i32>} : memref<4x4096xf32, #tpu.memory_space<vmem>>, vector<16xf32>,
        %mul3A_191 = arith.mulf %gather3A, %get3A_190 : vector<16xf32>
        %swap3A = arith.constant 0 : i32
        %swap3A_192 = arith.index_cast %swap3A : i32 to index
        %swap3A_193 = arith.index_cast %add3A_187 : i32 to index
        %swap3A_194 = tpu.vector_load %arg11[%swap3A_192, %swap3A_193] {strides = array<i32>} : memref<4x4096xf32, #tpu.memory_space<vmem>>, vector<16xf32>,
        tpu.vector_store %arg11[%swap3A_192, %swap3A_193], %mul3A_191 {strides = array<i32>} : memref<4x4096xf32, #tpu.memory_space<vmem>>, vector<16xf32>,
        %add3A_195 = arith.constant 16 : i32
        %add3A_196 = arith.addi %add3A_185, %add3A_195 : i32
        %get3A_197 = arith.constant 0 : i32
        %get3A_198 = arith.index_cast %get3A_197 : i32 to index
        %get3A_199 = arith.index_cast %add3A_196 : i32 to index
        %get3A_200 = tpu.vector_load %arg9[%get3A_198, %get3A_199] {strides = array<i32>} : memref<4x4096xf32, #tpu.memory_space<vmem>>, vector<16xf32>,
        %mul3A_201 = arith.mulf %gather3A, %get3A_200 : vector<16xf32>
        %swap3A_202 = arith.constant 0 : i32
        %swap3A_203 = arith.index_cast %swap3A_202 : i32 to index
        %swap3A_204 = arith.index_cast %add3A_196 : i32 to index
        %swap3A_205 = tpu.vector_load %arg11[%swap3A_203, %swap3A_204] {strides = array<i32>} : memref<4x4096xf32, #tpu.memory_space<vmem>>, vector<16xf32>,
        tpu.vector_store %arg11[%swap3A_203, %swap3A_204], %mul3A_201 {strides = array<i32>} : memref<4x4096xf32, #tpu.memory_space<vmem>>, vector<16xf32>,
        %add3A_206 = arith.constant 32 : i32
        %add3A_207 = arith.addi %add3A_185, %add3A_206 : i32
        %get3A_208 = arith.constant 0 : i32
        %get3A_209 = arith.index_cast %get3A_208 : i32 to index
        %get3A_210 = arith.index_cast %add3A_207 : i32 to index
        %get3A_211 = tpu.vector_load %arg9[%get3A_209, %get3A_210] {strides = array<i32>} : memref<4x4096xf32, #tpu.memory_space<vmem>>, vector<16xf32>,
        %mul3A_212 = arith.mulf %gather3A, %get3A_211 : vector<16xf32>
        %swap3A_213 = arith.constant 0 : i32
        %swap3A_214 = arith.index_cast %swap3A_213 : i32 to index
        %swap3A_215 = arith.index_cast %add3A_207 : i32 to index
        %swap3A_216 = tpu.vector_load %arg11[%swap3A_214, %swap3A_215] {strides = array<i32>} : memref<4x4096xf32, #tpu.memory_space<vmem>>, vector<16xf32>,
        tpu.vector_store %arg11[%swap3A_214, %swap3A_215], %mul3A_212 {strides = array<i32>} : memref<4x4096xf32, #tpu.memory_space<vmem>>, vector<16xf32>,
        %add3A_217 = arith.constant 48 : i32
        %add3A_218 = arith.addi %add3A_185, %add3A_217 : i32
        %get3A_219 = arith.constant 0 : i32
        %get3A_220 = arith.index_cast %get3A_219 : i32 to index
        %get3A_221 = arith.index_cast %add3A_218 : i32 to index
        %get3A_222 = tpu.vector_load %arg9[%get3A_220, %get3A_221] {strides = array<i32>} : memref<4x4096xf32, #tpu.memory_space<vmem>>, vector<16xf32>,
        %mul3A_223 = arith.mulf %gather3A, %get3A_222 : vector<16xf32>
        %swap3A_224 = arith.constant 0 : i32
        %swap3A_225 = arith.index_cast %swap3A_224 : i32 to index
        %swap3A_226 = arith.index_cast %add3A_218 : i32 to index
        %swap3A_227 = tpu.vector_load %arg11[%swap3A_225, %swap3A_226] {strides = array<i32>} : memref<4x4096xf32, #tpu.memory_space<vmem>>, vector<16xf32>,
        tpu.vector_store %arg11[%swap3A_225, %swap3A_226], %mul3A_223 {strides = array<i32>} : memref<4x4096xf32, #tpu.memory_space<vmem>>, vector<16xf32>,
        %add3A_228 = arith.constant 64 : i32
        %add3A_229 = arith.addi %add3A_185, %add3A_228 : i32
        %get3A_230 = arith.constant 0 : i32
        %get3A_231 = arith.index_cast %get3A_230 : i32 to index
        %get3A_232 = arith.index_cast %add3A_229 : i32 to index
        %get3A_233 = tpu.vector_load %arg9[%get3A_231, %get3A_232] {strides = array<i32>} : memref<4x4096xf32, #tpu.memory_space<vmem>>, vector<16xf32>,
        %mul3A_234 = arith.mulf %gather3A, %get3A_233 : vector<16xf32>
        %swap3A_235 = arith.constant 0 : i32
        %swap3A_236 = arith.index_cast %swap3A_235 : i32 to index
        %swap3A_237 = arith.index_cast %add3A_229 : i32 to index
        %swap3A_238 = tpu.vector_load %arg11[%swap3A_236, %swap3A_237] {strides = array<i32>} : memref<4x4096xf32, #tpu.memory_space<vmem>>, vector<16xf32>,
        tpu.vector_store %arg11[%swap3A_236, %swap3A_237], %mul3A_234 {strides = array<i32>} : memref<4x4096xf32, #tpu.memory_space<vmem>>, vector<16xf32>,
        %add3A_239 = arith.constant 80 : i32
        %add3A_240 = arith.addi %add3A_185, %add3A_239 : i32
        %get3A_241 = arith.constant 0 : i32
        %get3A_242 = arith.index_cast %get3A_241 : i32 to index
        %get3A_243 = arith.index_cast %add3A_240 : i32 to index
        %get3A_244 = tpu.vector_load %arg9[%get3A_242, %get3A_243] {strides = array<i32>} : memref<4x4096xf32, #tpu.memory_space<vmem>>, vector<16xf32>,
        %mul3A_245 = arith.mulf %gather3A, %get3A_244 : vector<16xf32>
        %swap3A_246 = arith.constant 0 : i32
        %swap3A_247 = arith.index_cast %swap3A_246 : i32 to index
        %swap3A_248 = arith.index_cast %add3A_240 : i32 to index
        %swap3A_249 = tpu.vector_load %arg11[%swap3A_247, %swap3A_248] {strides = array<i32>} : memref<4x4096xf32, #tpu.memory_space<vmem>>, vector<16xf32>,
        tpu.vector_store %arg11[%swap3A_247, %swap3A_248], %mul3A_245 {strides = array<i32>} : memref<4x4096xf32, #tpu.memory_space<vmem>>, vector<16xf32>,
        %add3A_250 = arith.constant 96 : i32
        %add3A_251 = arith.addi %add3A_185, %add3A_250 : i32
        %get3A_252 = arith.constant 0 : i32
        %get3A_253 = arith.index_cast %get3A_252 : i32 to index
        %get3A_254 = arith.index_cast %add3A_251 : i32 to index
        %get3A_255 = tpu.vector_load %arg9[%get3A_253, %get3A_254] {strides = array<i32>} : memref<4x4096xf32, #tpu.memory_space<vmem>>, vector<16xf32>,
        %mul3A_256 = arith.mulf %gather3A, %get3A_255 : vector<16xf32>
        %swap3A_257 = arith.constant 0 : i32
        %swap3A_258 = arith.index_cast %swap3A_257 : i32 to index
        %swap3A_259 = arith.index_cast %add3A_251 : i32 to index
        %swap3A_260 = tpu.vector_load %arg11[%swap3A_258, %swap3A_259] {strides = array<i32>} : memref<4x4096xf32, #tpu.memory_space<vmem>>, vector<16xf32>,
        tpu.vector_store %arg11[%swap3A_258, %swap3A_259], %mul3A_256 {strides = array<i32>} : memref<4x4096xf32, #tpu.memory_space<vmem>>, vector<16xf32>,
        %add3A_261 = arith.constant 112 : i32
        %add3A_262 = arith.addi %add3A_185, %add3A_261 : i32
        %get3A_263 = arith.constant 0 : i32
        %get3A_264 = arith.index_cast %get3A_263 : i32 to index
        %get3A_265 = arith.index_cast %add3A_262 : i32 to index
        %get3A_266 = tpu.vector_load %arg9[%get3A_264, %get3A_265] {strides = array<i32>} : memref<4x4096xf32, #tpu.memory_space<vmem>>, vector<16xf32>,
        %mul3A_267 = arith.mulf %gather3A, %get3A_266 : vector<16xf32>
        %swap3A_268 = arith.constant 0 : i32
        %swap3A_269 = arith.index_cast %swap3A_268 : i32 to index
        %swap3A_270 = arith.index_cast %add3A_262 : i32 to index
        %swap3A_271 = tpu.vector_load %arg11[%swap3A_269, %swap3A_270] {strides = array<i32>} : memref<4x4096xf32, #tpu.memory_space<vmem>>, vector<16xf32>,
        tpu.vector_store %arg11[%swap3A_269, %swap3A_270], %mul3A_267 {strides = array<i32>} : memref<4x4096xf32, #tpu.memory_space<vmem>>, vector<16xf32>,
      }
      %scan3A_62 = arith.constant 32 : i32
      %mul3A_63 = arith.constant 4 : i32
      %mul3A_64 = arith.muli %add3A_44, %mul3A_63 : i32
      %add3A_65 = arith.constant 1 : i32
      %add3A_66 = arith.addi %mul3A_64, %add3A_65 : i32
      %broadcast_in_dim3A_67 = vector.broadcast %add3A_66 : i32 to vector<16xi32>
      %gather3A_68 = tpu.vector_load_idx %arg8[%broadcast_in_dim3A_67] : memref<48xf32, #tpu.memory_space<vmem>>[vector<16xi32>], vector<16xf32>,
      %scan3A_69 = arith.constant 0 : i32
      %scan3A_70 = arith.constant 32 : i32
      %scan3A_71 = arith.addi %scan3A_69, %scan3A_70 : i32
      %scan3A_72 = arith.constant 1 : i32
      scf.for %scan3A_181 = %scan3A_69 to %scan3A_71 step %scan3A_72  : i32 {
        %mul3A_182 = arith.constant 128 : i32
        %mul3A_183 = arith.muli %scan3A_181, %mul3A_182 : i32
        %add3A_184 = arith.constant 0 : i32
        %add3A_185 = arith.addi %add3A_184, %mul3A_183 : i32
        %add3A_186 = arith.constant 0 : i32
        %add3A_187 = arith.addi %add3A_185, %add3A_186 : i32
        %get3A = arith.constant 1 : i32
        %get3A_188 = arith.index_cast %get3A : i32 to index
        %get3A_189 = arith.index_cast %add3A_187 : i32 to index
        %get3A_190 = tpu.vector_load %arg9[%get3A_188, %get3A_189] {strides = array<i32>} : memref<4x4096xf32, #tpu.memory_space<vmem>>, vector<16xf32>,
        %mul3A_191 = arith.mulf %gather3A_68, %get3A_190 : vector<16xf32>
        %swap3A = arith.constant 1 : i32
        %swap3A_192 = arith.index_cast %swap3A : i32 to index
        %swap3A_193 = arith.index_cast %add3A_187 : i32 to index
        %swap3A_194 = tpu.vector_load %arg11[%swap3A_192, %swap3A_193] {strides = array<i32>} : memref<4x4096xf32, #tpu.memory_space<vmem>>, vector<16xf32>,
        tpu.vector_store %arg11[%swap3A_192, %swap3A_193], %mul3A_191 {strides = array<i32>} : memref<4x4096xf32, #tpu.memory_space<vmem>>, vector<16xf32>,
        %add3A_195 = arith.constant 16 : i32
        %add3A_196 = arith.addi %add3A_185, %add3A_195 : i32
        %get3A_197 = arith.constant 1 : i32
        %get3A_198 = arith.index_cast %get3A_197 : i32 to index
        %get3A_199 = arith.index_cast %add3A_196 : i32 to index
        %get3A_200 = tpu.vector_load %arg9[%get3A_198, %get3A_199] {strides = array<i32>} : memref<4x4096xf32, #tpu.memory_space<vmem>>, vector<16xf32>,
        %mul3A_201 = arith.mulf %gather3A_68, %get3A_200 : vector<16xf32>
        %swap3A_202 = arith.constant 1 : i32
        %swap3A_203 = arith.index_cast %swap3A_202 : i32 to index
        %swap3A_204 = arith.index_cast %add3A_196 : i32 to index
        %swap3A_205 = tpu.vector_load %arg11[%swap3A_203, %swap3A_204] {strides = array<i32>} : memref<4x4096xf32, #tpu.memory_space<vmem>>, vector<16xf32>,
        tpu.vector_store %arg11[%swap3A_203, %swap3A_204], %mul3A_201 {strides = array<i32>} : memref<4x4096xf32, #tpu.memory_space<vmem>>, vector<16xf32>,
        %add3A_206 = arith.constant 32 : i32
        %add3A_207 = arith.addi %add3A_185, %add3A_206 : i32
        %get3A_208 = arith.constant 1 : i32
        %get3A_209 = arith.index_cast %get3A_208 : i32 to index
        %get3A_210 = arith.index_cast %add3A_207 : i32 to index
        %get3A_211 = tpu.vector_load %arg9[%get3A_209, %get3A_210] {strides = array<i32>} : memref<4x4096xf32, #tpu.memory_space<vmem>>, vector<16xf32>,
        %mul3A_212 = arith.mulf %gather3A_68, %get3A_211 : vector<16xf32>
        %swap3A_213 = arith.constant 1 : i32
        %swap3A_214 = arith.index_cast %swap3A_213 : i32 to index
        %swap3A_215 = arith.index_cast %add3A_207 : i32 to index
        %swap3A_216 = tpu.vector_load %arg11[%swap3A_214, %swap3A_215] {strides = array<i32>} : memref<4x4096xf32, #tpu.memory_space<vmem>>, vector<16xf32>,
        tpu.vector_store %arg11[%swap3A_214, %swap3A_215], %mul3A_212 {strides = array<i32>} : memref<4x4096xf32, #tpu.memory_space<vmem>>, vector<16xf32>,
        %add3A_217 = arith.constant 48 : i32
        %add3A_218 = arith.addi %add3A_185, %add3A_217 : i32
        %get3A_219 = arith.constant 1 : i32
        %get3A_220 = arith.index_cast %get3A_219 : i32 to index
        %get3A_221 = arith.index_cast %add3A_218 : i32 to index
        %get3A_222 = tpu.vector_load %arg9[%get3A_220, %get3A_221] {strides = array<i32>} : memref<4x4096xf32, #tpu.memory_space<vmem>>, vector<16xf32>,
        %mul3A_223 = arith.mulf %gather3A_68, %get3A_222 : vector<16xf32>
        %swap3A_224 = arith.constant 1 : i32
        %swap3A_225 = arith.index_cast %swap3A_224 : i32 to index
        %swap3A_226 = arith.index_cast %add3A_218 : i32 to index
        %swap3A_227 = tpu.vector_load %arg11[%swap3A_225, %swap3A_226] {strides = array<i32>} : memref<4x4096xf32, #tpu.memory_space<vmem>>, vector<16xf32>,
        tpu.vector_store %arg11[%swap3A_225, %swap3A_226], %mul3A_223 {strides = array<i32>} : memref<4x4096xf32, #tpu.memory_space<vmem>>, vector<16xf32>,
        %add3A_228 = arith.constant 64 : i32
        %add3A_229 = arith.addi %add3A_185, %add3A_228 : i32
        %get3A_230 = arith.constant 1 : i32
        %get3A_231 = arith.index_cast %get3A_230 : i32 to index
        %get3A_232 = arith.index_cast %add3A_229 : i32 to index
        %get3A_233 = tpu.vector_load %arg9[%get3A_231, %get3A_232] {strides = array<i32>} : memref<4x4096xf32, #tpu.memory_space<vmem>>, vector<16xf32>,
        %mul3A_234 = arith.mulf %gather3A_68, %get3A_233 : vector<16xf32>
        %swap3A_235 = arith.constant 1 : i32
        %swap3A_236 = arith.index_cast %swap3A_235 : i32 to index
        %swap3A_237 = arith.index_cast %add3A_229 : i32 to index
        %swap3A_238 = tpu.vector_load %arg11[%swap3A_236, %swap3A_237] {strides = array<i32>} : memref<4x4096xf32, #tpu.memory_space<vmem>>, vector<16xf32>,
        tpu.vector_store %arg11[%swap3A_236, %swap3A_237], %mul3A_234 {strides = array<i32>} : memref<4x4096xf32, #tpu.memory_space<vmem>>, vector<16xf32>,
        %add3A_239 = arith.constant 80 : i32
        %add3A_240 = arith.addi %add3A_185, %add3A_239 : i32
        %get3A_241 = arith.constant 1 : i32
        %get3A_242 = arith.index_cast %get3A_241 : i32 to index
        %get3A_243 = arith.index_cast %add3A_240 : i32 to index
        %get3A_244 = tpu.vector_load %arg9[%get3A_242, %get3A_243] {strides = array<i32>} : memref<4x4096xf32, #tpu.memory_space<vmem>>, vector<16xf32>,
        %mul3A_245 = arith.mulf %gather3A_68, %get3A_244 : vector<16xf32>
        %swap3A_246 = arith.constant 1 : i32
        %swap3A_247 = arith.index_cast %swap3A_246 : i32 to index
        %swap3A_248 = arith.index_cast %add3A_240 : i32 to index
        %swap3A_249 = tpu.vector_load %arg11[%swap3A_247, %swap3A_248] {strides = array<i32>} : memref<4x4096xf32, #tpu.memory_space<vmem>>, vector<16xf32>,
        tpu.vector_store %arg11[%swap3A_247, %swap3A_248], %mul3A_245 {strides = array<i32>} : memref<4x4096xf32, #tpu.memory_space<vmem>>, vector<16xf32>,
        %add3A_250 = arith.constant 96 : i32
        %add3A_251 = arith.addi %add3A_185, %add3A_250 : i32
        %get3A_252 = arith.constant 1 : i32
        %get3A_253 = arith.index_cast %get3A_252 : i32 to index
        %get3A_254 = arith.index_cast %add3A_251 : i32 to index
        %get3A_255 = tpu.vector_load %arg9[%get3A_253, %get3A_254] {strides = array<i32>} : memref<4x4096xf32, #tpu.memory_space<vmem>>, vector<16xf32>,
        %mul3A_256 = arith.mulf %gather3A_68, %get3A_255 : vector<16xf32>
        %swap3A_257 = arith.constant 1 : i32
        %swap3A_258 = arith.index_cast %swap3A_257 : i32 to index
        %swap3A_259 = arith.index_cast %add3A_251 : i32 to index
        %swap3A_260 = tpu.vector_load %arg11[%swap3A_258, %swap3A_259] {strides = array<i32>} : memref<4x4096xf32, #tpu.memory_space<vmem>>, vector<16xf32>,
        tpu.vector_store %arg11[%swap3A_258, %swap3A_259], %mul3A_256 {strides = array<i32>} : memref<4x4096xf32, #tpu.memory_space<vmem>>, vector<16xf32>,
        %add3A_261 = arith.constant 112 : i32
        %add3A_262 = arith.addi %add3A_185, %add3A_261 : i32
        %get3A_263 = arith.constant 1 : i32
        %get3A_264 = arith.index_cast %get3A_263 : i32 to index
        %get3A_265 = arith.index_cast %add3A_262 : i32 to index
        %get3A_266 = tpu.vector_load %arg9[%get3A_264, %get3A_265] {strides = array<i32>} : memref<4x4096xf32, #tpu.memory_space<vmem>>, vector<16xf32>,
        %mul3A_267 = arith.mulf %gather3A_68, %get3A_266 : vector<16xf32>
        %swap3A_268 = arith.constant 1 : i32
        %swap3A_269 = arith.index_cast %swap3A_268 : i32 to index
        %swap3A_270 = arith.index_cast %add3A_262 : i32 to index
        %swap3A_271 = tpu.vector_load %arg11[%swap3A_269, %swap3A_270] {strides = array<i32>} : memref<4x4096xf32, #tpu.memory_space<vmem>>, vector<16xf32>,
        tpu.vector_store %arg11[%swap3A_269, %swap3A_270], %mul3A_267 {strides = array<i32>} : memref<4x4096xf32, #tpu.memory_space<vmem>>, vector<16xf32>,
      }
      %scan3A_73 = arith.constant 32 : i32
      %mul3A_74 = arith.constant 4 : i32
      %mul3A_75 = arith.muli %add3A_44, %mul3A_74 : i32
      %add3A_76 = arith.constant 2 : i32
      %add3A_77 = arith.addi %mul3A_75, %add3A_76 : i32
      %broadcast_in_dim3A_78 = vector.broadcast %add3A_77 : i32 to vector<16xi32>
      %gather3A_79 = tpu.vector_load_idx %arg8[%broadcast_in_dim3A_78] : memref<48xf32, #tpu.memory_space<vmem>>[vector<16xi32>], vector<16xf32>,
      %scan3A_80 = arith.constant 0 : i32
      %scan3A_81 = arith.constant 32 : i32
      %scan3A_82 = arith.addi %scan3A_80, %scan3A_81 : i32
      %scan3A_83 = arith.constant 1 : i32
      scf.for %scan3A_181 = %scan3A_80 to %scan3A_82 step %scan3A_83  : i32 {
        %mul3A_182 = arith.constant 128 : i32
        %mul3A_183 = arith.muli %scan3A_181, %mul3A_182 : i32
        %add3A_184 = arith.constant 0 : i32
        %add3A_185 = arith.addi %add3A_184, %mul3A_183 : i32
        %add3A_186 = arith.constant 0 : i32
        %add3A_187 = arith.addi %add3A_185, %add3A_186 : i32
        %get3A = arith.constant 2 : i32
        %get3A_188 = arith.index_cast %get3A : i32 to index
        %get3A_189 = arith.index_cast %add3A_187 : i32 to index
        %get3A_190 = tpu.vector_load %arg9[%get3A_188, %get3A_189] {strides = array<i32>} : memref<4x4096xf32, #tpu.memory_space<vmem>>, vector<16xf32>,
        %mul3A_191 = arith.mulf %gather3A_79, %get3A_190 : vector<16xf32>
        %swap3A = arith.constant 2 : i32
        %swap3A_192 = arith.index_cast %swap3A : i32 to index
        %swap3A_193 = arith.index_cast %add3A_187 : i32 to index
        %swap3A_194 = tpu.vector_load %arg11[%swap3A_192, %swap3A_193] {strides = array<i32>} : memref<4x4096xf32, #tpu.memory_space<vmem>>, vector<16xf32>,
        tpu.vector_store %arg11[%swap3A_192, %swap3A_193], %mul3A_191 {strides = array<i32>} : memref<4x4096xf32, #tpu.memory_space<vmem>>, vector<16xf32>,
        %add3A_195 = arith.constant 16 : i32
        %add3A_196 = arith.addi %add3A_185, %add3A_195 : i32
        %get3A_197 = arith.constant 2 : i32
        %get3A_198 = arith.index_cast %get3A_197 : i32 to index
        %get3A_199 = arith.index_cast %add3A_196 : i32 to index
        %get3A_200 = tpu.vector_load %arg9[%get3A_198, %get3A_199] {strides = array<i32>} : memref<4x4096xf32, #tpu.memory_space<vmem>>, vector<16xf32>,
        %mul3A_201 = arith.mulf %gather3A_79, %get3A_200 : vector<16xf32>
        %swap3A_202 = arith.constant 2 : i32
        %swap3A_203 = arith.index_cast %swap3A_202 : i32 to index
        %swap3A_204 = arith.index_cast %add3A_196 : i32 to index
        %swap3A_205 = tpu.vector_load %arg11[%swap3A_203, %swap3A_204] {strides = array<i32>} : memref<4x4096xf32, #tpu.memory_space<vmem>>, vector<16xf32>,
        tpu.vector_store %arg11[%swap3A_203, %swap3A_204], %mul3A_201 {strides = array<i32>} : memref<4x4096xf32, #tpu.memory_space<vmem>>, vector<16xf32>,
        %add3A_206 = arith.constant 32 : i32
        %add3A_207 = arith.addi %add3A_185, %add3A_206 : i32
        %get3A_208 = arith.constant 2 : i32
        %get3A_209 = arith.index_cast %get3A_208 : i32 to index
        %get3A_210 = arith.index_cast %add3A_207 : i32 to index
        %get3A_211 = tpu.vector_load %arg9[%get3A_209, %get3A_210] {strides = array<i32>} : memref<4x4096xf32, #tpu.memory_space<vmem>>, vector<16xf32>,
        %mul3A_212 = arith.mulf %gather3A_79, %get3A_211 : vector<16xf32>
        %swap3A_213 = arith.constant 2 : i32
        %swap3A_214 = arith.index_cast %swap3A_213 : i32 to index
        %swap3A_215 = arith.index_cast %add3A_207 : i32 to index
        %swap3A_216 = tpu.vector_load %arg11[%swap3A_214, %swap3A_215] {strides = array<i32>} : memref<4x4096xf32, #tpu.memory_space<vmem>>, vector<16xf32>,
        tpu.vector_store %arg11[%swap3A_214, %swap3A_215], %mul3A_212 {strides = array<i32>} : memref<4x4096xf32, #tpu.memory_space<vmem>>, vector<16xf32>,
        %add3A_217 = arith.constant 48 : i32
        %add3A_218 = arith.addi %add3A_185, %add3A_217 : i32
        %get3A_219 = arith.constant 2 : i32
        %get3A_220 = arith.index_cast %get3A_219 : i32 to index
        %get3A_221 = arith.index_cast %add3A_218 : i32 to index
        %get3A_222 = tpu.vector_load %arg9[%get3A_220, %get3A_221] {strides = array<i32>} : memref<4x4096xf32, #tpu.memory_space<vmem>>, vector<16xf32>,
        %mul3A_223 = arith.mulf %gather3A_79, %get3A_222 : vector<16xf32>
        %swap3A_224 = arith.constant 2 : i32
        %swap3A_225 = arith.index_cast %swap3A_224 : i32 to index
        %swap3A_226 = arith.index_cast %add3A_218 : i32 to index
        %swap3A_227 = tpu.vector_load %arg11[%swap3A_225, %swap3A_226] {strides = array<i32>} : memref<4x4096xf32, #tpu.memory_space<vmem>>, vector<16xf32>,
        tpu.vector_store %arg11[%swap3A_225, %swap3A_226], %mul3A_223 {strides = array<i32>} : memref<4x4096xf32, #tpu.memory_space<vmem>>, vector<16xf32>,
        %add3A_228 = arith.constant 64 : i32
        %add3A_229 = arith.addi %add3A_185, %add3A_228 : i32
        %get3A_230 = arith.constant 2 : i32
        %get3A_231 = arith.index_cast %get3A_230 : i32 to index
        %get3A_232 = arith.index_cast %add3A_229 : i32 to index
        %get3A_233 = tpu.vector_load %arg9[%get3A_231, %get3A_232] {strides = array<i32>} : memref<4x4096xf32, #tpu.memory_space<vmem>>, vector<16xf32>,
        %mul3A_234 = arith.mulf %gather3A_79, %get3A_233 : vector<16xf32>
        %swap3A_235 = arith.constant 2 : i32
        %swap3A_236 = arith.index_cast %swap3A_235 : i32 to index
        %swap3A_237 = arith.index_cast %add3A_229 : i32 to index
        %swap3A_238 = tpu.vector_load %arg11[%swap3A_236, %swap3A_237] {strides = array<i32>} : memref<4x4096xf32, #tpu.memory_space<vmem>>, vector<16xf32>,
        tpu.vector_store %arg11[%swap3A_236, %swap3A_237], %mul3A_234 {strides = array<i32>} : memref<4x4096xf32, #tpu.memory_space<vmem>>, vector<16xf32>,
        %add3A_239 = arith.constant 80 : i32
        %add3A_240 = arith.addi %add3A_185, %add3A_239 : i32
        %get3A_241 = arith.constant 2 : i32
        %get3A_242 = arith.index_cast %get3A_241 : i32 to index
        %get3A_243 = arith.index_cast %add3A_240 : i32 to index
        %get3A_244 = tpu.vector_load %arg9[%get3A_242, %get3A_243] {strides = array<i32>} : memref<4x4096xf32, #tpu.memory_space<vmem>>, vector<16xf32>,
        %mul3A_245 = arith.mulf %gather3A_79, %get3A_244 : vector<16xf32>
        %swap3A_246 = arith.constant 2 : i32
        %swap3A_247 = arith.index_cast %swap3A_246 : i32 to index
        %swap3A_248 = arith.index_cast %add3A_240 : i32 to index
        %swap3A_249 = tpu.vector_load %arg11[%swap3A_247, %swap3A_248] {strides = array<i32>} : memref<4x4096xf32, #tpu.memory_space<vmem>>, vector<16xf32>,
        tpu.vector_store %arg11[%swap3A_247, %swap3A_248], %mul3A_245 {strides = array<i32>} : memref<4x4096xf32, #tpu.memory_space<vmem>>, vector<16xf32>,
        %add3A_250 = arith.constant 96 : i32
        %add3A_251 = arith.addi %add3A_185, %add3A_250 : i32
        %get3A_252 = arith.constant 2 : i32
        %get3A_253 = arith.index_cast %get3A_252 : i32 to index
        %get3A_254 = arith.index_cast %add3A_251 : i32 to index
        %get3A_255 = tpu.vector_load %arg9[%get3A_253, %get3A_254] {strides = array<i32>} : memref<4x4096xf32, #tpu.memory_space<vmem>>, vector<16xf32>,
        %mul3A_256 = arith.mulf %gather3A_79, %get3A_255 : vector<16xf32>
        %swap3A_257 = arith.constant 2 : i32
        %swap3A_258 = arith.index_cast %swap3A_257 : i32 to index
        %swap3A_259 = arith.index_cast %add3A_251 : i32 to index
        %swap3A_260 = tpu.vector_load %arg11[%swap3A_258, %swap3A_259] {strides = array<i32>} : memref<4x4096xf32, #tpu.memory_space<vmem>>, vector<16xf32>,
        tpu.vector_store %arg11[%swap3A_258, %swap3A_259], %mul3A_256 {strides = array<i32>} : memref<4x4096xf32, #tpu.memory_space<vmem>>, vector<16xf32>,
        %add3A_261 = arith.constant 112 : i32
        %add3A_262 = arith.addi %add3A_185, %add3A_261 : i32
        %get3A_263 = arith.constant 2 : i32
        %get3A_264 = arith.index_cast %get3A_263 : i32 to index
        %get3A_265 = arith.index_cast %add3A_262 : i32 to index
        %get3A_266 = tpu.vector_load %arg9[%get3A_264, %get3A_265] {strides = array<i32>} : memref<4x4096xf32, #tpu.memory_space<vmem>>, vector<16xf32>,
        %mul3A_267 = arith.mulf %gather3A_79, %get3A_266 : vector<16xf32>
        %swap3A_268 = arith.constant 2 : i32
        %swap3A_269 = arith.index_cast %swap3A_268 : i32 to index
        %swap3A_270 = arith.index_cast %add3A_262 : i32 to index
        %swap3A_271 = tpu.vector_load %arg11[%swap3A_269, %swap3A_270] {strides = array<i32>} : memref<4x4096xf32, #tpu.memory_space<vmem>>, vector<16xf32>,
        tpu.vector_store %arg11[%swap3A_269, %swap3A_270], %mul3A_267 {strides = array<i32>} : memref<4x4096xf32, #tpu.memory_space<vmem>>, vector<16xf32>,
      }
      %scan3A_84 = arith.constant 32 : i32
      %mul3A_85 = arith.constant 4 : i32
      %mul3A_86 = arith.muli %add3A_44, %mul3A_85 : i32
      %add3A_87 = arith.constant 3 : i32
      %add3A_88 = arith.addi %mul3A_86, %add3A_87 : i32
      %broadcast_in_dim3A_89 = vector.broadcast %add3A_88 : i32 to vector<16xi32>
      %gather3A_90 = tpu.vector_load_idx %arg8[%broadcast_in_dim3A_89] : memref<48xf32, #tpu.memory_space<vmem>>[vector<16xi32>], vector<16xf32>,
      %scan3A_91 = arith.constant 0 : i32
      %scan3A_92 = arith.constant 32 : i32
      %scan3A_93 = arith.addi %scan3A_91, %scan3A_92 : i32
      %scan3A_94 = arith.constant 1 : i32
      scf.for %scan3A_181 = %scan3A_91 to %scan3A_93 step %scan3A_94  : i32 {
        %mul3A_182 = arith.constant 128 : i32
        %mul3A_183 = arith.muli %scan3A_181, %mul3A_182 : i32
        %add3A_184 = arith.constant 0 : i32
        %add3A_185 = arith.addi %add3A_184, %mul3A_183 : i32
        %add3A_186 = arith.constant 0 : i32
        %add3A_187 = arith.addi %add3A_185, %add3A_186 : i32
        %get3A = arith.constant 3 : i32
        %get3A_188 = arith.index_cast %get3A : i32 to index
        %get3A_189 = arith.index_cast %add3A_187 : i32 to index
        %get3A_190 = tpu.vector_load %arg9[%get3A_188, %get3A_189] {strides = array<i32>} : memref<4x4096xf32, #tpu.memory_space<vmem>>, vector<16xf32>,
        %mul3A_191 = arith.mulf %gather3A_90, %get3A_190 : vector<16xf32>
        %swap3A = arith.constant 3 : i32
        %swap3A_192 = arith.index_cast %swap3A : i32 to index
        %swap3A_193 = arith.index_cast %add3A_187 : i32 to index
        %swap3A_194 = tpu.vector_load %arg11[%swap3A_192, %swap3A_193] {strides = array<i32>} : memref<4x4096xf32, #tpu.memory_space<vmem>>, vector<16xf32>,
        tpu.vector_store %arg11[%swap3A_192, %swap3A_193], %mul3A_191 {strides = array<i32>} : memref<4x4096xf32, #tpu.memory_space<vmem>>, vector<16xf32>,
        %add3A_195 = arith.constant 16 : i32
        %add3A_196 = arith.addi %add3A_185, %add3A_195 : i32
        %get3A_197 = arith.constant 3 : i32
        %get3A_198 = arith.index_cast %get3A_197 : i32 to index
        %get3A_199 = arith.index_cast %add3A_196 : i32 to index
        %get3A_200 = tpu.vector_load %arg9[%get3A_198, %get3A_199] {strides = array<i32>} : memref<4x4096xf32, #tpu.memory_space<vmem>>, vector<16xf32>,
        %mul3A_201 = arith.mulf %gather3A_90, %get3A_200 : vector<16xf32>
        %swap3A_202 = arith.constant 3 : i32
        %swap3A_203 = arith.index_cast %swap3A_202 : i32 to index
        %swap3A_204 = arith.index_cast %add3A_196 : i32 to index
        %swap3A_205 = tpu.vector_load %arg11[%swap3A_203, %swap3A_204] {strides = array<i32>} : memref<4x4096xf32, #tpu.memory_space<vmem>>, vector<16xf32>,
        tpu.vector_store %arg11[%swap3A_203, %swap3A_204], %mul3A_201 {strides = array<i32>} : memref<4x4096xf32, #tpu.memory_space<vmem>>, vector<16xf32>,
        %add3A_206 = arith.constant 32 : i32
        %add3A_207 = arith.addi %add3A_185, %add3A_206 : i32
        %get3A_208 = arith.constant 3 : i32
        %get3A_209 = arith.index_cast %get3A_208 : i32 to index
        %get3A_210 = arith.index_cast %add3A_207 : i32 to index
        %get3A_211 = tpu.vector_load %arg9[%get3A_209, %get3A_210] {strides = array<i32>} : memref<4x4096xf32, #tpu.memory_space<vmem>>, vector<16xf32>,
        %mul3A_212 = arith.mulf %gather3A_90, %get3A_211 : vector<16xf32>
        %swap3A_213 = arith.constant 3 : i32
        %swap3A_214 = arith.index_cast %swap3A_213 : i32 to index
        %swap3A_215 = arith.index_cast %add3A_207 : i32 to index
        %swap3A_216 = tpu.vector_load %arg11[%swap3A_214, %swap3A_215] {strides = array<i32>} : memref<4x4096xf32, #tpu.memory_space<vmem>>, vector<16xf32>,
        tpu.vector_store %arg11[%swap3A_214, %swap3A_215], %mul3A_212 {strides = array<i32>} : memref<4x4096xf32, #tpu.memory_space<vmem>>, vector<16xf32>,
        %add3A_217 = arith.constant 48 : i32
        %add3A_218 = arith.addi %add3A_185, %add3A_217 : i32
        %get3A_219 = arith.constant 3 : i32
        %get3A_220 = arith.index_cast %get3A_219 : i32 to index
        %get3A_221 = arith.index_cast %add3A_218 : i32 to index
        %get3A_222 = tpu.vector_load %arg9[%get3A_220, %get3A_221] {strides = array<i32>} : memref<4x4096xf32, #tpu.memory_space<vmem>>, vector<16xf32>,
        %mul3A_223 = arith.mulf %gather3A_90, %get3A_222 : vector<16xf32>
        %swap3A_224 = arith.constant 3 : i32
        %swap3A_225 = arith.index_cast %swap3A_224 : i32 to index
        %swap3A_226 = arith.index_cast %add3A_218 : i32 to index
        %swap3A_227 = tpu.vector_load %arg11[%swap3A_225, %swap3A_226] {strides = array<i32>} : memref<4x4096xf32, #tpu.memory_space<vmem>>, vector<16xf32>,
        tpu.vector_store %arg11[%swap3A_225, %swap3A_226], %mul3A_223 {strides = array<i32>} : memref<4x4096xf32, #tpu.memory_space<vmem>>, vector<16xf32>,
        %add3A_228 = arith.constant 64 : i32
        %add3A_229 = arith.addi %add3A_185, %add3A_228 : i32
        %get3A_230 = arith.constant 3 : i32
        %get3A_231 = arith.index_cast %get3A_230 : i32 to index
        %get3A_232 = arith.index_cast %add3A_229 : i32 to index
        %get3A_233 = tpu.vector_load %arg9[%get3A_231, %get3A_232] {strides = array<i32>} : memref<4x4096xf32, #tpu.memory_space<vmem>>, vector<16xf32>,
        %mul3A_234 = arith.mulf %gather3A_90, %get3A_233 : vector<16xf32>
        %swap3A_235 = arith.constant 3 : i32
        %swap3A_236 = arith.index_cast %swap3A_235 : i32 to index
        %swap3A_237 = arith.index_cast %add3A_229 : i32 to index
        %swap3A_238 = tpu.vector_load %arg11[%swap3A_236, %swap3A_237] {strides = array<i32>} : memref<4x4096xf32, #tpu.memory_space<vmem>>, vector<16xf32>,
        tpu.vector_store %arg11[%swap3A_236, %swap3A_237], %mul3A_234 {strides = array<i32>} : memref<4x4096xf32, #tpu.memory_space<vmem>>, vector<16xf32>,
        %add3A_239 = arith.constant 80 : i32
        %add3A_240 = arith.addi %add3A_185, %add3A_239 : i32
        %get3A_241 = arith.constant 3 : i32
        %get3A_242 = arith.index_cast %get3A_241 : i32 to index
        %get3A_243 = arith.index_cast %add3A_240 : i32 to index
        %get3A_244 = tpu.vector_load %arg9[%get3A_242, %get3A_243] {strides = array<i32>} : memref<4x4096xf32, #tpu.memory_space<vmem>>, vector<16xf32>,
        %mul3A_245 = arith.mulf %gather3A_90, %get3A_244 : vector<16xf32>
        %swap3A_246 = arith.constant 3 : i32
        %swap3A_247 = arith.index_cast %swap3A_246 : i32 to index
        %swap3A_248 = arith.index_cast %add3A_240 : i32 to index
        %swap3A_249 = tpu.vector_load %arg11[%swap3A_247, %swap3A_248] {strides = array<i32>} : memref<4x4096xf32, #tpu.memory_space<vmem>>, vector<16xf32>,
        tpu.vector_store %arg11[%swap3A_247, %swap3A_248], %mul3A_245 {strides = array<i32>} : memref<4x4096xf32, #tpu.memory_space<vmem>>, vector<16xf32>,
        %add3A_250 = arith.constant 96 : i32
        %add3A_251 = arith.addi %add3A_185, %add3A_250 : i32
        %get3A_252 = arith.constant 3 : i32
        %get3A_253 = arith.index_cast %get3A_252 : i32 to index
        %get3A_254 = arith.index_cast %add3A_251 : i32 to index
        %get3A_255 = tpu.vector_load %arg9[%get3A_253, %get3A_254] {strides = array<i32>} : memref<4x4096xf32, #tpu.memory_space<vmem>>, vector<16xf32>,
        %mul3A_256 = arith.mulf %gather3A_90, %get3A_255 : vector<16xf32>
        %swap3A_257 = arith.constant 3 : i32
        %swap3A_258 = arith.index_cast %swap3A_257 : i32 to index
        %swap3A_259 = arith.index_cast %add3A_251 : i32 to index
        %swap3A_260 = tpu.vector_load %arg11[%swap3A_258, %swap3A_259] {strides = array<i32>} : memref<4x4096xf32, #tpu.memory_space<vmem>>, vector<16xf32>,
        tpu.vector_store %arg11[%swap3A_258, %swap3A_259], %mul3A_256 {strides = array<i32>} : memref<4x4096xf32, #tpu.memory_space<vmem>>, vector<16xf32>,
        %add3A_261 = arith.constant 112 : i32
        %add3A_262 = arith.addi %add3A_185, %add3A_261 : i32
        %get3A_263 = arith.constant 3 : i32
        %get3A_264 = arith.index_cast %get3A_263 : i32 to index
        %get3A_265 = arith.index_cast %add3A_262 : i32 to index
        %get3A_266 = tpu.vector_load %arg9[%get3A_264, %get3A_265] {strides = array<i32>} : memref<4x4096xf32, #tpu.memory_space<vmem>>, vector<16xf32>,
        %mul3A_267 = arith.mulf %gather3A_90, %get3A_266 : vector<16xf32>
        %swap3A_268 = arith.constant 3 : i32
        %swap3A_269 = arith.index_cast %swap3A_268 : i32 to index
        %swap3A_270 = arith.index_cast %add3A_262 : i32 to index
        %swap3A_271 = tpu.vector_load %arg11[%swap3A_269, %swap3A_270] {strides = array<i32>} : memref<4x4096xf32, #tpu.memory_space<vmem>>, vector<16xf32>,
        tpu.vector_store %arg11[%swap3A_269, %swap3A_270], %mul3A_267 {strides = array<i32>} : memref<4x4096xf32, #tpu.memory_space<vmem>>, vector<16xf32>,
      }
      %scan3A_95 = arith.constant 32 : i32
      %mul3A_96 = arith.constant 4 : i32
      %mul3A_97 = arith.muli %add3A_44, %mul3A_96 : i32
      %add3A_98 = arith.addi %mul3A_6, %mul3A_97 : i32
      %dma_start3A_99 = arith.constant 0 : i32
      %dma_start3A_100 = tpu.memref_slice %arg5[%add3A_98, %dma_start3A_99] : memref<1536x4096xf32, #tpu.memory_space<hbm>> -> memref<4x4096xf32, #tpu.memory_space<hbm>>
      %dma_start3A_101 = arith.constant 0 : i32
      %dma_start3A_102 = tpu.memref_slice %arg5[%add3A_98, %dma_start3A_101] : memref<1536x4096xf32, #tpu.memory_space<hbm>> -> memref<4x4096xf32, #tpu.memory_space<hbm>>
      tpu.enqueue_dma source(%arg11 : memref<4x4096xf32, #tpu.memory_space<vmem>>) target(%dma_start3A_102 : memref<4x4096xf32, #tpu.memory_space<hbm>>) target_semaphore(%arg15 : memref<!tpu.dma_semaphore, #tpu.memory_space<semaphore_mem>>)
      %add3A_103 = arith.constant 2 : i32
      %add3A_104 = arith.addi %add3A_44, %add3A_103 : i32
      %lt3A = arith.constant 12 : i32
      %lt3A_105 = arith.cmpi slt, %add3A_104, %lt3A : i32
      %convert_element_type3A_106 = arith.extui %lt3A_105 : i1 to i32
      %cond3A_107 = arith.constant 0 : i32
      %cond3A_108 = arith.cmpi ne, %convert_element_type3A_106, %cond3A_107 : i32
      scf.if %cond3A_108 {
        %add3A_181 = arith.constant 2 : i32
        %add3A_182 = arith.addi %add3A_44, %add3A_181 : i32
        %mul3A_183 = arith.constant 4 : i32
        %mul3A_184 = arith.muli %add3A_182, %mul3A_183 : i32
        %add3A_185 = arith.addi %add3A_4, %mul3A_184 : i32
        %dma_start3A_186 = arith.constant 0 : i32
        %dma_start3A_187 = tpu.memref_slice %arg4[%add3A_185, %dma_start3A_186] : memref<4096x4096xf32, #tpu.memory_space<hbm>> -> memref<4x4096xf32, #tpu.memory_space<hbm>>
        %dma_start3A_188 = arith.constant 0 : i32
        %dma_start3A_189 = tpu.memref_slice %arg4[%add3A_185, %dma_start3A_188] : memref<4096x4096xf32, #tpu.memory_space<hbm>> -> memref<4x4096xf32, #tpu.memory_space<hbm>>
        tpu.enqueue_dma source(%dma_start3A_189 : memref<4x4096xf32, #tpu.memory_space<hbm>>) target(%arg9 : memref<4x4096xf32, #tpu.memory_space<vmem>>) target_semaphore(%arg13 : memref<!tpu.dma_semaphore, #tpu.memory_space<semaphore_mem>>)
      } else {
      }
      %add3A_109 = arith.constant 1 : i32
      %add3A_110 = arith.addi %add3A_42, %add3A_109 : i32
      %mul3A_111 = arith.constant 4 : i32
      %mul3A_112 = arith.muli %add3A_110, %mul3A_111 : i32
      %add3A_113 = arith.addi %add3A_4, %mul3A_112 : i32
      %dma_wait3A_114 = arith.constant 0 : i32
      %dma_wait3A_115 = tpu.memref_slice %arg4[%add3A_113, %dma_wait3A_114] : memref<4096x4096xf32, #tpu.memory_space<hbm>> -> memref<4x4096xf32, #tpu.memory_space<hbm>>
      %dma_wait3A_116 = arith.constant 0 : i32
      %dma_wait3A_117 = tpu.memref_slice %arg4[%add3A_113, %dma_wait3A_116] : memref<4096x4096xf32, #tpu.memory_space<hbm>> -> memref<4x4096xf32, #tpu.memory_space<hbm>>
      tpu.wait_dma2 semaphore(%arg14 : memref<!tpu.dma_semaphore, #tpu.memory_space<semaphore_mem>>) src(%dma_wait3A_117 : memref<4x4096xf32, #tpu.memory_space<hbm>>) dst(%arg10 : memref<4x4096xf32, #tpu.memory_space<vmem>>)
      %ge3A_118 = arith.constant 2 : i32
      %ge3A_119 = arith.cmpi sge, %add3A_110, %ge3A_118 : i32
      %convert_element_type3A_120 = arith.extui %ge3A_119 : i1 to i32
      %cond3A_121 = arith.constant 0 : i32
      %cond3A_122 = arith.cmpi ne, %convert_element_type3A_120, %cond3A_121 : i32
      scf.if %cond3A_122 {
        %mul3A_181 = arith.constant 4 : i32
        %mul3A_182 = arith.muli %add3A_110, %mul3A_181 : i32
        %add3A_183 = arith.addi %mul3A_6, %mul3A_182 : i32
        %dma_wait3A_184 = arith.constant 0 : i32
        %dma_wait3A_185 = tpu.memref_slice %arg5[%add3A_183, %dma_wait3A_184] : memref<1536x4096xf32, #tpu.memory_space<hbm>> -> memref<4x4096xf32, #tpu.memory_space<hbm>>
        %dma_wait3A_186 = arith.constant 0 : i32
        %dma_wait3A_187 = tpu.memref_slice %arg5[%add3A_183, %dma_wait3A_186] : memref<1536x4096xf32, #tpu.memory_space<hbm>> -> memref<4x4096xf32, #tpu.memory_space<hbm>>
        tpu.wait_dma2 semaphore(%arg16 : memref<!tpu.dma_semaphore, #tpu.memory_space<semaphore_mem>>) src(%arg12 : memref<4x4096xf32, #tpu.memory_space<vmem>>) dst(%dma_wait3A_187 : memref<4x4096xf32, #tpu.memory_space<hbm>>)
      } else {
      }
      %mul3A_123 = arith.constant 4 : i32
      %mul3A_124 = arith.muli %add3A_110, %mul3A_123 : i32
      %add3A_125 = arith.constant 0 : i32
      %add3A_126 = arith.addi %mul3A_124, %add3A_125 : i32
      %broadcast_in_dim3A_127 = vector.broadcast %add3A_126 : i32 to vector<16xi32>
      %gather3A_128 = tpu.vector_load_idx %arg8[%broadcast_in_dim3A_127] : memref<48xf32, #tpu.memory_space<vmem>>[vector<16xi32>], vector<16xf32>,
      %scan3A_129 = arith.constant 0 : i32
      %scan3A_130 = arith.constant 32 : i32
      %scan3A_131 = arith.addi %scan3A_129, %scan3A_130 : i32
      %scan3A_132 = arith.constant 1 : i32
      scf.for %scan3A_181 = %scan3A_129 to %scan3A_131 step %scan3A_132  : i32 {
        %mul3A_182 = arith.constant 128 : i32
        %mul3A_183 = arith.muli %scan3A_181, %mul3A_182 : i32
        %add3A_184 = arith.constant 0 : i32
        %add3A_185 = arith.addi %add3A_184, %mul3A_183 : i32
        %add3A_186 = arith.constant 0 : i32
        %add3A_187 = arith.addi %add3A_185, %add3A_186 : i32
        %get3A = arith.constant 0 : i32
        %get3A_188 = arith.index_cast %get3A : i32 to index
        %get3A_189 = arith.index_cast %add3A_187 : i32 to index
        %get3A_190 = tpu.vector_load %arg10[%get3A_188, %get3A_189] {strides = array<i32>} : memref<4x4096xf32, #tpu.memory_space<vmem>>, vector<16xf32>,
        %mul3A_191 = arith.mulf %gather3A_128, %get3A_190 : vector<16xf32>
        %swap3A = arith.constant 0 : i32
        %swap3A_192 = arith.index_cast %swap3A : i32 to index
        %swap3A_193 = arith.index_cast %add3A_187 : i32 to index
        %swap3A_194 = tpu.vector_load %arg12[%swap3A_192, %swap3A_193] {strides = array<i32>} : memref<4x4096xf32, #tpu.memory_space<vmem>>, vector<16xf32>,
        tpu.vector_store %arg12[%swap3A_192, %swap3A_193], %mul3A_191 {strides = array<i32>} : memref<4x4096xf32, #tpu.memory_space<vmem>>, vector<16xf32>,
        %add3A_195 = arith.constant 16 : i32
        %add3A_196 = arith.addi %add3A_185, %add3A_195 : i32
        %get3A_197 = arith.constant 0 : i32
        %get3A_198 = arith.index_cast %get3A_197 : i32 to index
        %get3A_199 = arith.index_cast %add3A_196 : i32 to index
        %get3A_200 = tpu.vector_load %arg10[%get3A_198, %get3A_199] {strides = array<i32>} : memref<4x4096xf32, #tpu.memory_space<vmem>>, vector<16xf32>,
        %mul3A_201 = arith.mulf %gather3A_128, %get3A_200 : vector<16xf32>
        %swap3A_202 = arith.constant 0 : i32
        %swap3A_203 = arith.index_cast %swap3A_202 : i32 to index
        %swap3A_204 = arith.index_cast %add3A_196 : i32 to index
        %swap3A_205 = tpu.vector_load %arg12[%swap3A_203, %swap3A_204] {strides = array<i32>} : memref<4x4096xf32, #tpu.memory_space<vmem>>, vector<16xf32>,
        tpu.vector_store %arg12[%swap3A_203, %swap3A_204], %mul3A_201 {strides = array<i32>} : memref<4x4096xf32, #tpu.memory_space<vmem>>, vector<16xf32>,
        %add3A_206 = arith.constant 32 : i32
        %add3A_207 = arith.addi %add3A_185, %add3A_206 : i32
        %get3A_208 = arith.constant 0 : i32
        %get3A_209 = arith.index_cast %get3A_208 : i32 to index
        %get3A_210 = arith.index_cast %add3A_207 : i32 to index
        %get3A_211 = tpu.vector_load %arg10[%get3A_209, %get3A_210] {strides = array<i32>} : memref<4x4096xf32, #tpu.memory_space<vmem>>, vector<16xf32>,
        %mul3A_212 = arith.mulf %gather3A_128, %get3A_211 : vector<16xf32>
        %swap3A_213 = arith.constant 0 : i32
        %swap3A_214 = arith.index_cast %swap3A_213 : i32 to index
        %swap3A_215 = arith.index_cast %add3A_207 : i32 to index
        %swap3A_216 = tpu.vector_load %arg12[%swap3A_214, %swap3A_215] {strides = array<i32>} : memref<4x4096xf32, #tpu.memory_space<vmem>>, vector<16xf32>,
        tpu.vector_store %arg12[%swap3A_214, %swap3A_215], %mul3A_212 {strides = array<i32>} : memref<4x4096xf32, #tpu.memory_space<vmem>>, vector<16xf32>,
        %add3A_217 = arith.constant 48 : i32
        %add3A_218 = arith.addi %add3A_185, %add3A_217 : i32
        %get3A_219 = arith.constant 0 : i32
        %get3A_220 = arith.index_cast %get3A_219 : i32 to index
        %get3A_221 = arith.index_cast %add3A_218 : i32 to index
        %get3A_222 = tpu.vector_load %arg10[%get3A_220, %get3A_221] {strides = array<i32>} : memref<4x4096xf32, #tpu.memory_space<vmem>>, vector<16xf32>,
        %mul3A_223 = arith.mulf %gather3A_128, %get3A_222 : vector<16xf32>
        %swap3A_224 = arith.constant 0 : i32
        %swap3A_225 = arith.index_cast %swap3A_224 : i32 to index
        %swap3A_226 = arith.index_cast %add3A_218 : i32 to index
        %swap3A_227 = tpu.vector_load %arg12[%swap3A_225, %swap3A_226] {strides = array<i32>} : memref<4x4096xf32, #tpu.memory_space<vmem>>, vector<16xf32>,
        tpu.vector_store %arg12[%swap3A_225, %swap3A_226], %mul3A_223 {strides = array<i32>} : memref<4x4096xf32, #tpu.memory_space<vmem>>, vector<16xf32>,
        %add3A_228 = arith.constant 64 : i32
        %add3A_229 = arith.addi %add3A_185, %add3A_228 : i32
        %get3A_230 = arith.constant 0 : i32
        %get3A_231 = arith.index_cast %get3A_230 : i32 to index
        %get3A_232 = arith.index_cast %add3A_229 : i32 to index
        %get3A_233 = tpu.vector_load %arg10[%get3A_231, %get3A_232] {strides = array<i32>} : memref<4x4096xf32, #tpu.memory_space<vmem>>, vector<16xf32>,
        %mul3A_234 = arith.mulf %gather3A_128, %get3A_233 : vector<16xf32>
        %swap3A_235 = arith.constant 0 : i32
        %swap3A_236 = arith.index_cast %swap3A_235 : i32 to index
        %swap3A_237 = arith.index_cast %add3A_229 : i32 to index
        %swap3A_238 = tpu.vector_load %arg12[%swap3A_236, %swap3A_237] {strides = array<i32>} : memref<4x4096xf32, #tpu.memory_space<vmem>>, vector<16xf32>,
        tpu.vector_store %arg12[%swap3A_236, %swap3A_237], %mul3A_234 {strides = array<i32>} : memref<4x4096xf32, #tpu.memory_space<vmem>>, vector<16xf32>,
        %add3A_239 = arith.constant 80 : i32
        %add3A_240 = arith.addi %add3A_185, %add3A_239 : i32
        %get3A_241 = arith.constant 0 : i32
        %get3A_242 = arith.index_cast %get3A_241 : i32 to index
        %get3A_243 = arith.index_cast %add3A_240 : i32 to index
        %get3A_244 = tpu.vector_load %arg10[%get3A_242, %get3A_243] {strides = array<i32>} : memref<4x4096xf32, #tpu.memory_space<vmem>>, vector<16xf32>,
        %mul3A_245 = arith.mulf %gather3A_128, %get3A_244 : vector<16xf32>
        %swap3A_246 = arith.constant 0 : i32
        %swap3A_247 = arith.index_cast %swap3A_246 : i32 to index
        %swap3A_248 = arith.index_cast %add3A_240 : i32 to index
        %swap3A_249 = tpu.vector_load %arg12[%swap3A_247, %swap3A_248] {strides = array<i32>} : memref<4x4096xf32, #tpu.memory_space<vmem>>, vector<16xf32>,
        tpu.vector_store %arg12[%swap3A_247, %swap3A_248], %mul3A_245 {strides = array<i32>} : memref<4x4096xf32, #tpu.memory_space<vmem>>, vector<16xf32>,
        %add3A_250 = arith.constant 96 : i32
        %add3A_251 = arith.addi %add3A_185, %add3A_250 : i32
        %get3A_252 = arith.constant 0 : i32
        %get3A_253 = arith.index_cast %get3A_252 : i32 to index
        %get3A_254 = arith.index_cast %add3A_251 : i32 to index
        %get3A_255 = tpu.vector_load %arg10[%get3A_253, %get3A_254] {strides = array<i32>} : memref<4x4096xf32, #tpu.memory_space<vmem>>, vector<16xf32>,
        %mul3A_256 = arith.mulf %gather3A_128, %get3A_255 : vector<16xf32>
        %swap3A_257 = arith.constant 0 : i32
        %swap3A_258 = arith.index_cast %swap3A_257 : i32 to index
        %swap3A_259 = arith.index_cast %add3A_251 : i32 to index
        %swap3A_260 = tpu.vector_load %arg12[%swap3A_258, %swap3A_259] {strides = array<i32>} : memref<4x4096xf32, #tpu.memory_space<vmem>>, vector<16xf32>,
        tpu.vector_store %arg12[%swap3A_258, %swap3A_259], %mul3A_256 {strides = array<i32>} : memref<4x4096xf32, #tpu.memory_space<vmem>>, vector<16xf32>,
        %add3A_261 = arith.constant 112 : i32
        %add3A_262 = arith.addi %add3A_185, %add3A_261 : i32
        %get3A_263 = arith.constant 0 : i32
        %get3A_264 = arith.index_cast %get3A_263 : i32 to index
        %get3A_265 = arith.index_cast %add3A_262 : i32 to index
        %get3A_266 = tpu.vector_load %arg10[%get3A_264, %get3A_265] {strides = array<i32>} : memref<4x4096xf32, #tpu.memory_space<vmem>>, vector<16xf32>,
        %mul3A_267 = arith.mulf %gather3A_128, %get3A_266 : vector<16xf32>
        %swap3A_268 = arith.constant 0 : i32
        %swap3A_269 = arith.index_cast %swap3A_268 : i32 to index
        %swap3A_270 = arith.index_cast %add3A_262 : i32 to index
        %swap3A_271 = tpu.vector_load %arg12[%swap3A_269, %swap3A_270] {strides = array<i32>} : memref<4x4096xf32, #tpu.memory_space<vmem>>, vector<16xf32>,
        tpu.vector_store %arg12[%swap3A_269, %swap3A_270], %mul3A_267 {strides = array<i32>} : memref<4x4096xf32, #tpu.memory_space<vmem>>, vector<16xf32>,
      }
      %scan3A_133 = arith.constant 32 : i32
      %mul3A_134 = arith.constant 4 : i32
      %mul3A_135 = arith.muli %add3A_110, %mul3A_134 : i32
      %add3A_136 = arith.constant 1 : i32
      %add3A_137 = arith.addi %mul3A_135, %add3A_136 : i32
      %broadcast_in_dim3A_138 = vector.broadcast %add3A_137 : i32 to vector<16xi32>
      %gather3A_139 = tpu.vector_load_idx %arg8[%broadcast_in_dim3A_138] : memref<48xf32, #tpu.memory_space<vmem>>[vector<16xi32>], vector<16xf32>,
      %scan3A_140 = arith.constant 0 : i32
      %scan3A_141 = arith.constant 32 : i32
      %scan3A_142 = arith.addi %scan3A_140, %scan3A_141 : i32
      %scan3A_143 = arith.constant 1 : i32
      scf.for %scan3A_181 = %scan3A_140 to %scan3A_142 step %scan3A_143  : i32 {
        %mul3A_182 = arith.constant 128 : i32
        %mul3A_183 = arith.muli %scan3A_181, %mul3A_182 : i32
        %add3A_184 = arith.constant 0 : i32
        %add3A_185 = arith.addi %add3A_184, %mul3A_183 : i32
        %add3A_186 = arith.constant 0 : i32
        %add3A_187 = arith.addi %add3A_185, %add3A_186 : i32
        %get3A = arith.constant 1 : i32
        %get3A_188 = arith.index_cast %get3A : i32 to index
        %get3A_189 = arith.index_cast %add3A_187 : i32 to index
        %get3A_190 = tpu.vector_load %arg10[%get3A_188, %get3A_189] {strides = array<i32>} : memref<4x4096xf32, #tpu.memory_space<vmem>>, vector<16xf32>,
        %mul3A_191 = arith.mulf %gather3A_139, %get3A_190 : vector<16xf32>
        %swap3A = arith.constant 1 : i32
        %swap3A_192 = arith.index_cast %swap3A : i32 to index
        %swap3A_193 = arith.index_cast %add3A_187 : i32 to index
        %swap3A_194 = tpu.vector_load %arg12[%swap3A_192, %swap3A_193] {strides = array<i32>} : memref<4x4096xf32, #tpu.memory_space<vmem>>, vector<16xf32>,
        tpu.vector_store %arg12[%swap3A_192, %swap3A_193], %mul3A_191 {strides = array<i32>} : memref<4x4096xf32, #tpu.memory_space<vmem>>, vector<16xf32>,
        %add3A_195 = arith.constant 16 : i32
        %add3A_196 = arith.addi %add3A_185, %add3A_195 : i32
        %get3A_197 = arith.constant 1 : i32
        %get3A_198 = arith.index_cast %get3A_197 : i32 to index
        %get3A_199 = arith.index_cast %add3A_196 : i32 to index
        %get3A_200 = tpu.vector_load %arg10[%get3A_198, %get3A_199] {strides = array<i32>} : memref<4x4096xf32, #tpu.memory_space<vmem>>, vector<16xf32>,
        %mul3A_201 = arith.mulf %gather3A_139, %get3A_200 : vector<16xf32>
        %swap3A_202 = arith.constant 1 : i32
        %swap3A_203 = arith.index_cast %swap3A_202 : i32 to index
        %swap3A_204 = arith.index_cast %add3A_196 : i32 to index
        %swap3A_205 = tpu.vector_load %arg12[%swap3A_203, %swap3A_204] {strides = array<i32>} : memref<4x4096xf32, #tpu.memory_space<vmem>>, vector<16xf32>,
        tpu.vector_store %arg12[%swap3A_203, %swap3A_204], %mul3A_201 {strides = array<i32>} : memref<4x4096xf32, #tpu.memory_space<vmem>>, vector<16xf32>,
        %add3A_206 = arith.constant 32 : i32
        %add3A_207 = arith.addi %add3A_185, %add3A_206 : i32
        %get3A_208 = arith.constant 1 : i32
        %get3A_209 = arith.index_cast %get3A_208 : i32 to index
        %get3A_210 = arith.index_cast %add3A_207 : i32 to index
        %get3A_211 = tpu.vector_load %arg10[%get3A_209, %get3A_210] {strides = array<i32>} : memref<4x4096xf32, #tpu.memory_space<vmem>>, vector<16xf32>,
        %mul3A_212 = arith.mulf %gather3A_139, %get3A_211 : vector<16xf32>
        %swap3A_213 = arith.constant 1 : i32
        %swap3A_214 = arith.index_cast %swap3A_213 : i32 to index
        %swap3A_215 = arith.index_cast %add3A_207 : i32 to index
        %swap3A_216 = tpu.vector_load %arg12[%swap3A_214, %swap3A_215] {strides = array<i32>} : memref<4x4096xf32, #tpu.memory_space<vmem>>, vector<16xf32>,
        tpu.vector_store %arg12[%swap3A_214, %swap3A_215], %mul3A_212 {strides = array<i32>} : memref<4x4096xf32, #tpu.memory_space<vmem>>, vector<16xf32>,
        %add3A_217 = arith.constant 48 : i32
        %add3A_218 = arith.addi %add3A_185, %add3A_217 : i32
        %get3A_219 = arith.constant 1 : i32
        %get3A_220 = arith.index_cast %get3A_219 : i32 to index
        %get3A_221 = arith.index_cast %add3A_218 : i32 to index
        %get3A_222 = tpu.vector_load %arg10[%get3A_220, %get3A_221] {strides = array<i32>} : memref<4x4096xf32, #tpu.memory_space<vmem>>, vector<16xf32>,
        %mul3A_223 = arith.mulf %gather3A_139, %get3A_222 : vector<16xf32>
        %swap3A_224 = arith.constant 1 : i32
        %swap3A_225 = arith.index_cast %swap3A_224 : i32 to index
        %swap3A_226 = arith.index_cast %add3A_218 : i32 to index
        %swap3A_227 = tpu.vector_load %arg12[%swap3A_225, %swap3A_226] {strides = array<i32>} : memref<4x4096xf32, #tpu.memory_space<vmem>>, vector<16xf32>,
        tpu.vector_store %arg12[%swap3A_225, %swap3A_226], %mul3A_223 {strides = array<i32>} : memref<4x4096xf32, #tpu.memory_space<vmem>>, vector<16xf32>,
        %add3A_228 = arith.constant 64 : i32
        %add3A_229 = arith.addi %add3A_185, %add3A_228 : i32
        %get3A_230 = arith.constant 1 : i32
        %get3A_231 = arith.index_cast %get3A_230 : i32 to index
        %get3A_232 = arith.index_cast %add3A_229 : i32 to index
        %get3A_233 = tpu.vector_load %arg10[%get3A_231, %get3A_232] {strides = array<i32>} : memref<4x4096xf32, #tpu.memory_space<vmem>>, vector<16xf32>,
        %mul3A_234 = arith.mulf %gather3A_139, %get3A_233 : vector<16xf32>
        %swap3A_235 = arith.constant 1 : i32
        %swap3A_236 = arith.index_cast %swap3A_235 : i32 to index
        %swap3A_237 = arith.index_cast %add3A_229 : i32 to index
        %swap3A_238 = tpu.vector_load %arg12[%swap3A_236, %swap3A_237] {strides = array<i32>} : memref<4x4096xf32, #tpu.memory_space<vmem>>, vector<16xf32>,
        tpu.vector_store %arg12[%swap3A_236, %swap3A_237], %mul3A_234 {strides = array<i32>} : memref<4x4096xf32, #tpu.memory_space<vmem>>, vector<16xf32>,
        %add3A_239 = arith.constant 80 : i32
        %add3A_240 = arith.addi %add3A_185, %add3A_239 : i32
        %get3A_241 = arith.constant 1 : i32
        %get3A_242 = arith.index_cast %get3A_241 : i32 to index
        %get3A_243 = arith.index_cast %add3A_240 : i32 to index
        %get3A_244 = tpu.vector_load %arg10[%get3A_242, %get3A_243] {strides = array<i32>} : memref<4x4096xf32, #tpu.memory_space<vmem>>, vector<16xf32>,
        %mul3A_245 = arith.mulf %gather3A_139, %get3A_244 : vector<16xf32>
        %swap3A_246 = arith.constant 1 : i32
        %swap3A_247 = arith.index_cast %swap3A_246 : i32 to index
        %swap3A_248 = arith.index_cast %add3A_240 : i32 to index
        %swap3A_249 = tpu.vector_load %arg12[%swap3A_247, %swap3A_248] {strides = array<i32>} : memref<4x4096xf32, #tpu.memory_space<vmem>>, vector<16xf32>,
        tpu.vector_store %arg12[%swap3A_247, %swap3A_248], %mul3A_245 {strides = array<i32>} : memref<4x4096xf32, #tpu.memory_space<vmem>>, vector<16xf32>,
        %add3A_250 = arith.constant 96 : i32
        %add3A_251 = arith.addi %add3A_185, %add3A_250 : i32
        %get3A_252 = arith.constant 1 : i32
        %get3A_253 = arith.index_cast %get3A_252 : i32 to index
        %get3A_254 = arith.index_cast %add3A_251 : i32 to index
        %get3A_255 = tpu.vector_load %arg10[%get3A_253, %get3A_254] {strides = array<i32>} : memref<4x4096xf32, #tpu.memory_space<vmem>>, vector<16xf32>,
        %mul3A_256 = arith.mulf %gather3A_139, %get3A_255 : vector<16xf32>
        %swap3A_257 = arith.constant 1 : i32
        %swap3A_258 = arith.index_cast %swap3A_257 : i32 to index
        %swap3A_259 = arith.index_cast %add3A_251 : i32 to index
        %swap3A_260 = tpu.vector_load %arg12[%swap3A_258, %swap3A_259] {strides = array<i32>} : memref<4x4096xf32, #tpu.memory_space<vmem>>, vector<16xf32>,
        tpu.vector_store %arg12[%swap3A_258, %swap3A_259], %mul3A_256 {strides = array<i32>} : memref<4x4096xf32, #tpu.memory_space<vmem>>, vector<16xf32>,
        %add3A_261 = arith.constant 112 : i32
        %add3A_262 = arith.addi %add3A_185, %add3A_261 : i32
        %get3A_263 = arith.constant 1 : i32
        %get3A_264 = arith.index_cast %get3A_263 : i32 to index
        %get3A_265 = arith.index_cast %add3A_262 : i32 to index
        %get3A_266 = tpu.vector_load %arg10[%get3A_264, %get3A_265] {strides = array<i32>} : memref<4x4096xf32, #tpu.memory_space<vmem>>, vector<16xf32>,
        %mul3A_267 = arith.mulf %gather3A_139, %get3A_266 : vector<16xf32>
        %swap3A_268 = arith.constant 1 : i32
        %swap3A_269 = arith.index_cast %swap3A_268 : i32 to index
        %swap3A_270 = arith.index_cast %add3A_262 : i32 to index
        %swap3A_271 = tpu.vector_load %arg12[%swap3A_269, %swap3A_270] {strides = array<i32>} : memref<4x4096xf32, #tpu.memory_space<vmem>>, vector<16xf32>,
        tpu.vector_store %arg12[%swap3A_269, %swap3A_270], %mul3A_267 {strides = array<i32>} : memref<4x4096xf32, #tpu.memory_space<vmem>>, vector<16xf32>,
      }
      %scan3A_144 = arith.constant 32 : i32
      %mul3A_145 = arith.constant 4 : i32
      %mul3A_146 = arith.muli %add3A_110, %mul3A_145 : i32
      %add3A_147 = arith.constant 2 : i32
      %add3A_148 = arith.addi %mul3A_146, %add3A_147 : i32
      %broadcast_in_dim3A_149 = vector.broadcast %add3A_148 : i32 to vector<16xi32>
      %gather3A_150 = tpu.vector_load_idx %arg8[%broadcast_in_dim3A_149] : memref<48xf32, #tpu.memory_space<vmem>>[vector<16xi32>], vector<16xf32>,
      %scan3A_151 = arith.constant 0 : i32
      %scan3A_152 = arith.constant 32 : i32
      %scan3A_153 = arith.addi %scan3A_151, %scan3A_152 : i32
      %scan3A_154 = arith.constant 1 : i32
      scf.for %scan3A_181 = %scan3A_151 to %scan3A_153 step %scan3A_154  : i32 {
        %mul3A_182 = arith.constant 128 : i32
        %mul3A_183 = arith.muli %scan3A_181, %mul3A_182 : i32
        %add3A_184 = arith.constant 0 : i32
        %add3A_185 = arith.addi %add3A_184, %mul3A_183 : i32
        %add3A_186 = arith.constant 0 : i32
        %add3A_187 = arith.addi %add3A_185, %add3A_186 : i32
        %get3A = arith.constant 2 : i32
        %get3A_188 = arith.index_cast %get3A : i32 to index
        %get3A_189 = arith.index_cast %add3A_187 : i32 to index
        %get3A_190 = tpu.vector_load %arg10[%get3A_188, %get3A_189] {strides = array<i32>} : memref<4x4096xf32, #tpu.memory_space<vmem>>, vector<16xf32>,
        %mul3A_191 = arith.mulf %gather3A_150, %get3A_190 : vector<16xf32>
        %swap3A = arith.constant 2 : i32
        %swap3A_192 = arith.index_cast %swap3A : i32 to index
        %swap3A_193 = arith.index_cast %add3A_187 : i32 to index
        %swap3A_194 = tpu.vector_load %arg12[%swap3A_192, %swap3A_193] {strides = array<i32>} : memref<4x4096xf32, #tpu.memory_space<vmem>>, vector<16xf32>,
        tpu.vector_store %arg12[%swap3A_192, %swap3A_193], %mul3A_191 {strides = array<i32>} : memref<4x4096xf32, #tpu.memory_space<vmem>>, vector<16xf32>,
        %add3A_195 = arith.constant 16 : i32
        %add3A_196 = arith.addi %add3A_185, %add3A_195 : i32
        %get3A_197 = arith.constant 2 : i32
        %get3A_198 = arith.index_cast %get3A_197 : i32 to index
        %get3A_199 = arith.index_cast %add3A_196 : i32 to index
        %get3A_200 = tpu.vector_load %arg10[%get3A_198, %get3A_199] {strides = array<i32>} : memref<4x4096xf32, #tpu.memory_space<vmem>>, vector<16xf32>,
        %mul3A_201 = arith.mulf %gather3A_150, %get3A_200 : vector<16xf32>
        %swap3A_202 = arith.constant 2 : i32
        %swap3A_203 = arith.index_cast %swap3A_202 : i32 to index
        %swap3A_204 = arith.index_cast %add3A_196 : i32 to index
        %swap3A_205 = tpu.vector_load %arg12[%swap3A_203, %swap3A_204] {strides = array<i32>} : memref<4x4096xf32, #tpu.memory_space<vmem>>, vector<16xf32>,
        tpu.vector_store %arg12[%swap3A_203, %swap3A_204], %mul3A_201 {strides = array<i32>} : memref<4x4096xf32, #tpu.memory_space<vmem>>, vector<16xf32>,
        %add3A_206 = arith.constant 32 : i32
        %add3A_207 = arith.addi %add3A_185, %add3A_206 : i32
        %get3A_208 = arith.constant 2 : i32
        %get3A_209 = arith.index_cast %get3A_208 : i32 to index
        %get3A_210 = arith.index_cast %add3A_207 : i32 to index
        %get3A_211 = tpu.vector_load %arg10[%get3A_209, %get3A_210] {strides = array<i32>} : memref<4x4096xf32, #tpu.memory_space<vmem>>, vector<16xf32>,
        %mul3A_212 = arith.mulf %gather3A_150, %get3A_211 : vector<16xf32>
        %swap3A_213 = arith.constant 2 : i32
        %swap3A_214 = arith.index_cast %swap3A_213 : i32 to index
        %swap3A_215 = arith.index_cast %add3A_207 : i32 to index
        %swap3A_216 = tpu.vector_load %arg12[%swap3A_214, %swap3A_215] {strides = array<i32>} : memref<4x4096xf32, #tpu.memory_space<vmem>>, vector<16xf32>,
        tpu.vector_store %arg12[%swap3A_214, %swap3A_215], %mul3A_212 {strides = array<i32>} : memref<4x4096xf32, #tpu.memory_space<vmem>>, vector<16xf32>,
        %add3A_217 = arith.constant 48 : i32
        %add3A_218 = arith.addi %add3A_185, %add3A_217 : i32
        %get3A_219 = arith.constant 2 : i32
        %get3A_220 = arith.index_cast %get3A_219 : i32 to index
        %get3A_221 = arith.index_cast %add3A_218 : i32 to index
        %get3A_222 = tpu.vector_load %arg10[%get3A_220, %get3A_221] {strides = array<i32>} : memref<4x4096xf32, #tpu.memory_space<vmem>>, vector<16xf32>,
        %mul3A_223 = arith.mulf %gather3A_150, %get3A_222 : vector<16xf32>
        %swap3A_224 = arith.constant 2 : i32
        %swap3A_225 = arith.index_cast %swap3A_224 : i32 to index
        %swap3A_226 = arith.index_cast %add3A_218 : i32 to index
        %swap3A_227 = tpu.vector_load %arg12[%swap3A_225, %swap3A_226] {strides = array<i32>} : memref<4x4096xf32, #tpu.memory_space<vmem>>, vector<16xf32>,
        tpu.vector_store %arg12[%swap3A_225, %swap3A_226], %mul3A_223 {strides = array<i32>} : memref<4x4096xf32, #tpu.memory_space<vmem>>, vector<16xf32>,
        %add3A_228 = arith.constant 64 : i32
        %add3A_229 = arith.addi %add3A_185, %add3A_228 : i32
        %get3A_230 = arith.constant 2 : i32
        %get3A_231 = arith.index_cast %get3A_230 : i32 to index
        %get3A_232 = arith.index_cast %add3A_229 : i32 to index
        %get3A_233 = tpu.vector_load %arg10[%get3A_231, %get3A_232] {strides = array<i32>} : memref<4x4096xf32, #tpu.memory_space<vmem>>, vector<16xf32>,
        %mul3A_234 = arith.mulf %gather3A_150, %get3A_233 : vector<16xf32>
        %swap3A_235 = arith.constant 2 : i32
        %swap3A_236 = arith.index_cast %swap3A_235 : i32 to index
        %swap3A_237 = arith.index_cast %add3A_229 : i32 to index
        %swap3A_238 = tpu.vector_load %arg12[%swap3A_236, %swap3A_237] {strides = array<i32>} : memref<4x4096xf32, #tpu.memory_space<vmem>>, vector<16xf32>,
        tpu.vector_store %arg12[%swap3A_236, %swap3A_237], %mul3A_234 {strides = array<i32>} : memref<4x4096xf32, #tpu.memory_space<vmem>>, vector<16xf32>,
        %add3A_239 = arith.constant 80 : i32
        %add3A_240 = arith.addi %add3A_185, %add3A_239 : i32
        %get3A_241 = arith.constant 2 : i32
        %get3A_242 = arith.index_cast %get3A_241 : i32 to index
        %get3A_243 = arith.index_cast %add3A_240 : i32 to index
        %get3A_244 = tpu.vector_load %arg10[%get3A_242, %get3A_243] {strides = array<i32>} : memref<4x4096xf32, #tpu.memory_space<vmem>>, vector<16xf32>,
        %mul3A_245 = arith.mulf %gather3A_150, %get3A_244 : vector<16xf32>
        %swap3A_246 = arith.constant 2 : i32
        %swap3A_247 = arith.index_cast %swap3A_246 : i32 to index
        %swap3A_248 = arith.index_cast %add3A_240 : i32 to index
        %swap3A_249 = tpu.vector_load %arg12[%swap3A_247, %swap3A_248] {strides = array<i32>} : memref<4x4096xf32, #tpu.memory_space<vmem>>, vector<16xf32>,
        tpu.vector_store %arg12[%swap3A_247, %swap3A_248], %mul3A_245 {strides = array<i32>} : memref<4x4096xf32, #tpu.memory_space<vmem>>, vector<16xf32>,
        %add3A_250 = arith.constant 96 : i32
        %add3A_251 = arith.addi %add3A_185, %add3A_250 : i32
        %get3A_252 = arith.constant 2 : i32
        %get3A_253 = arith.index_cast %get3A_252 : i32 to index
        %get3A_254 = arith.index_cast %add3A_251 : i32 to index
        %get3A_255 = tpu.vector_load %arg10[%get3A_253, %get3A_254] {strides = array<i32>} : memref<4x4096xf32, #tpu.memory_space<vmem>>, vector<16xf32>,
        %mul3A_256 = arith.mulf %gather3A_150, %get3A_255 : vector<16xf32>
        %swap3A_257 = arith.constant 2 : i32
        %swap3A_258 = arith.index_cast %swap3A_257 : i32 to index
        %swap3A_259 = arith.index_cast %add3A_251 : i32 to index
        %swap3A_260 = tpu.vector_load %arg12[%swap3A_258, %swap3A_259] {strides = array<i32>} : memref<4x4096xf32, #tpu.memory_space<vmem>>, vector<16xf32>,
        tpu.vector_store %arg12[%swap3A_258, %swap3A_259], %mul3A_256 {strides = array<i32>} : memref<4x4096xf32, #tpu.memory_space<vmem>>, vector<16xf32>,
        %add3A_261 = arith.constant 112 : i32
        %add3A_262 = arith.addi %add3A_185, %add3A_261 : i32
        %get3A_263 = arith.constant 2 : i32
        %get3A_264 = arith.index_cast %get3A_263 : i32 to index
        %get3A_265 = arith.index_cast %add3A_262 : i32 to index
        %get3A_266 = tpu.vector_load %arg10[%get3A_264, %get3A_265] {strides = array<i32>} : memref<4x4096xf32, #tpu.memory_space<vmem>>, vector<16xf32>,
        %mul3A_267 = arith.mulf %gather3A_150, %get3A_266 : vector<16xf32>
        %swap3A_268 = arith.constant 2 : i32
        %swap3A_269 = arith.index_cast %swap3A_268 : i32 to index
        %swap3A_270 = arith.index_cast %add3A_262 : i32 to index
        %swap3A_271 = tpu.vector_load %arg12[%swap3A_269, %swap3A_270] {strides = array<i32>} : memref<4x4096xf32, #tpu.memory_space<vmem>>, vector<16xf32>,
        tpu.vector_store %arg12[%swap3A_269, %swap3A_270], %mul3A_267 {strides = array<i32>} : memref<4x4096xf32, #tpu.memory_space<vmem>>, vector<16xf32>,
      }
      %scan3A_155 = arith.constant 32 : i32
      %mul3A_156 = arith.constant 4 : i32
      %mul3A_157 = arith.muli %add3A_110, %mul3A_156 : i32
      %add3A_158 = arith.constant 3 : i32
      %add3A_159 = arith.addi %mul3A_157, %add3A_158 : i32
      %broadcast_in_dim3A_160 = vector.broadcast %add3A_159 : i32 to vector<16xi32>
      %gather3A_161 = tpu.vector_load_idx %arg8[%broadcast_in_dim3A_160] : memref<48xf32, #tpu.memory_space<vmem>>[vector<16xi32>], vector<16xf32>,
      %scan3A_162 = arith.constant 0 : i32
      %scan3A_163 = arith.constant 32 : i32
      %scan3A_164 = arith.addi %scan3A_162, %scan3A_163 : i32
      %scan3A_165 = arith.constant 1 : i32
      scf.for %scan3A_181 = %scan3A_162 to %scan3A_164 step %scan3A_165  : i32 {
        %mul3A_182 = arith.constant 128 : i32
        %mul3A_183 = arith.muli %scan3A_181, %mul3A_182 : i32
        %add3A_184 = arith.constant 0 : i32
        %add3A_185 = arith.addi %add3A_184, %mul3A_183 : i32
        %add3A_186 = arith.constant 0 : i32
        %add3A_187 = arith.addi %add3A_185, %add3A_186 : i32
        %get3A = arith.constant 3 : i32
        %get3A_188 = arith.index_cast %get3A : i32 to index
        %get3A_189 = arith.index_cast %add3A_187 : i32 to index
        %get3A_190 = tpu.vector_load %arg10[%get3A_188, %get3A_189] {strides = array<i32>} : memref<4x4096xf32, #tpu.memory_space<vmem>>, vector<16xf32>,
        %mul3A_191 = arith.mulf %gather3A_161, %get3A_190 : vector<16xf32>
        %swap3A = arith.constant 3 : i32
        %swap3A_192 = arith.index_cast %swap3A : i32 to index
        %swap3A_193 = arith.index_cast %add3A_187 : i32 to index
        %swap3A_194 = tpu.vector_load %arg12[%swap3A_192, %swap3A_193] {strides = array<i32>} : memref<4x4096xf32, #tpu.memory_space<vmem>>, vector<16xf32>,
        tpu.vector_store %arg12[%swap3A_192, %swap3A_193], %mul3A_191 {strides = array<i32>} : memref<4x4096xf32, #tpu.memory_space<vmem>>, vector<16xf32>,
        %add3A_195 = arith.constant 16 : i32
        %add3A_196 = arith.addi %add3A_185, %add3A_195 : i32
        %get3A_197 = arith.constant 3 : i32
        %get3A_198 = arith.index_cast %get3A_197 : i32 to index
        %get3A_199 = arith.index_cast %add3A_196 : i32 to index
        %get3A_200 = tpu.vector_load %arg10[%get3A_198, %get3A_199] {strides = array<i32>} : memref<4x4096xf32, #tpu.memory_space<vmem>>, vector<16xf32>,
        %mul3A_201 = arith.mulf %gather3A_161, %get3A_200 : vector<16xf32>
        %swap3A_202 = arith.constant 3 : i32
        %swap3A_203 = arith.index_cast %swap3A_202 : i32 to index
        %swap3A_204 = arith.index_cast %add3A_196 : i32 to index
        %swap3A_205 = tpu.vector_load %arg12[%swap3A_203, %swap3A_204] {strides = array<i32>} : memref<4x4096xf32, #tpu.memory_space<vmem>>, vector<16xf32>,
        tpu.vector_store %arg12[%swap3A_203, %swap3A_204], %mul3A_201 {strides = array<i32>} : memref<4x4096xf32, #tpu.memory_space<vmem>>, vector<16xf32>,
        %add3A_206 = arith.constant 32 : i32
        %add3A_207 = arith.addi %add3A_185, %add3A_206 : i32
        %get3A_208 = arith.constant 3 : i32
        %get3A_209 = arith.index_cast %get3A_208 : i32 to index
        %get3A_210 = arith.index_cast %add3A_207 : i32 to index
        %get3A_211 = tpu.vector_load %arg10[%get3A_209, %get3A_210] {strides = array<i32>} : memref<4x4096xf32, #tpu.memory_space<vmem>>, vector<16xf32>,
        %mul3A_212 = arith.mulf %gather3A_161, %get3A_211 : vector<16xf32>
        %swap3A_213 = arith.constant 3 : i32
        %swap3A_214 = arith.index_cast %swap3A_213 : i32 to index
        %swap3A_215 = arith.index_cast %add3A_207 : i32 to index
        %swap3A_216 = tpu.vector_load %arg12[%swap3A_214, %swap3A_215] {strides = array<i32>} : memref<4x4096xf32, #tpu.memory_space<vmem>>, vector<16xf32>,
        tpu.vector_store %arg12[%swap3A_214, %swap3A_215], %mul3A_212 {strides = array<i32>} : memref<4x4096xf32, #tpu.memory_space<vmem>>, vector<16xf32>,
        %add3A_217 = arith.constant 48 : i32
        %add3A_218 = arith.addi %add3A_185, %add3A_217 : i32
        %get3A_219 = arith.constant 3 : i32
        %get3A_220 = arith.index_cast %get3A_219 : i32 to index
        %get3A_221 = arith.index_cast %add3A_218 : i32 to index
        %get3A_222 = tpu.vector_load %arg10[%get3A_220, %get3A_221] {strides = array<i32>} : memref<4x4096xf32, #tpu.memory_space<vmem>>, vector<16xf32>,
        %mul3A_223 = arith.mulf %gather3A_161, %get3A_222 : vector<16xf32>
        %swap3A_224 = arith.constant 3 : i32
        %swap3A_225 = arith.index_cast %swap3A_224 : i32 to index
        %swap3A_226 = arith.index_cast %add3A_218 : i32 to index
        %swap3A_227 = tpu.vector_load %arg12[%swap3A_225, %swap3A_226] {strides = array<i32>} : memref<4x4096xf32, #tpu.memory_space<vmem>>, vector<16xf32>,
        tpu.vector_store %arg12[%swap3A_225, %swap3A_226], %mul3A_223 {strides = array<i32>} : memref<4x4096xf32, #tpu.memory_space<vmem>>, vector<16xf32>,
        %add3A_228 = arith.constant 64 : i32
        %add3A_229 = arith.addi %add3A_185, %add3A_228 : i32
        %get3A_230 = arith.constant 3 : i32
        %get3A_231 = arith.index_cast %get3A_230 : i32 to index
        %get3A_232 = arith.index_cast %add3A_229 : i32 to index
        %get3A_233 = tpu.vector_load %arg10[%get3A_231, %get3A_232] {strides = array<i32>} : memref<4x4096xf32, #tpu.memory_space<vmem>>, vector<16xf32>,
        %mul3A_234 = arith.mulf %gather3A_161, %get3A_233 : vector<16xf32>
        %swap3A_235 = arith.constant 3 : i32
        %swap3A_236 = arith.index_cast %swap3A_235 : i32 to index
        %swap3A_237 = arith.index_cast %add3A_229 : i32 to index
        %swap3A_238 = tpu.vector_load %arg12[%swap3A_236, %swap3A_237] {strides = array<i32>} : memref<4x4096xf32, #tpu.memory_space<vmem>>, vector<16xf32>,
        tpu.vector_store %arg12[%swap3A_236, %swap3A_237], %mul3A_234 {strides = array<i32>} : memref<4x4096xf32, #tpu.memory_space<vmem>>, vector<16xf32>,
        %add3A_239 = arith.constant 80 : i32
        %add3A_240 = arith.addi %add3A_185, %add3A_239 : i32
        %get3A_241 = arith.constant 3 : i32
        %get3A_242 = arith.index_cast %get3A_241 : i32 to index
        %get3A_243 = arith.index_cast %add3A_240 : i32 to index
        %get3A_244 = tpu.vector_load %arg10[%get3A_242, %get3A_243] {strides = array<i32>} : memref<4x4096xf32, #tpu.memory_space<vmem>>, vector<16xf32>,
        %mul3A_245 = arith.mulf %gather3A_161, %get3A_244 : vector<16xf32>
        %swap3A_246 = arith.constant 3 : i32
        %swap3A_247 = arith.index_cast %swap3A_246 : i32 to index
        %swap3A_248 = arith.index_cast %add3A_240 : i32 to index
        %swap3A_249 = tpu.vector_load %arg12[%swap3A_247, %swap3A_248] {strides = array<i32>} : memref<4x4096xf32, #tpu.memory_space<vmem>>, vector<16xf32>,
        tpu.vector_store %arg12[%swap3A_247, %swap3A_248], %mul3A_245 {strides = array<i32>} : memref<4x4096xf32, #tpu.memory_space<vmem>>, vector<16xf32>,
        %add3A_250 = arith.constant 96 : i32
        %add3A_251 = arith.addi %add3A_185, %add3A_250 : i32
        %get3A_252 = arith.constant 3 : i32
        %get3A_253 = arith.index_cast %get3A_252 : i32 to index
        %get3A_254 = arith.index_cast %add3A_251 : i32 to index
        %get3A_255 = tpu.vector_load %arg10[%get3A_253, %get3A_254] {strides = array<i32>} : memref<4x4096xf32, #tpu.memory_space<vmem>>, vector<16xf32>,
        %mul3A_256 = arith.mulf %gather3A_161, %get3A_255 : vector<16xf32>
        %swap3A_257 = arith.constant 3 : i32
        %swap3A_258 = arith.index_cast %swap3A_257 : i32 to index
        %swap3A_259 = arith.index_cast %add3A_251 : i32 to index
        %swap3A_260 = tpu.vector_load %arg12[%swap3A_258, %swap3A_259] {strides = array<i32>} : memref<4x4096xf32, #tpu.memory_space<vmem>>, vector<16xf32>,
        tpu.vector_store %arg12[%swap3A_258, %swap3A_259], %mul3A_256 {strides = array<i32>} : memref<4x4096xf32, #tpu.memory_space<vmem>>, vector<16xf32>,
        %add3A_261 = arith.constant 112 : i32
        %add3A_262 = arith.addi %add3A_185, %add3A_261 : i32
        %get3A_263 = arith.constant 3 : i32
        %get3A_264 = arith.index_cast %get3A_263 : i32 to index
        %get3A_265 = arith.index_cast %add3A_262 : i32 to index
        %get3A_266 = tpu.vector_load %arg10[%get3A_264, %get3A_265] {strides = array<i32>} : memref<4x4096xf32, #tpu.memory_space<vmem>>, vector<16xf32>,
        %mul3A_267 = arith.mulf %gather3A_161, %get3A_266 : vector<16xf32>
        %swap3A_268 = arith.constant 3 : i32
        %swap3A_269 = arith.index_cast %swap3A_268 : i32 to index
        %swap3A_270 = arith.index_cast %add3A_262 : i32 to index
        %swap3A_271 = tpu.vector_load %arg12[%swap3A_269, %swap3A_270] {strides = array<i32>} : memref<4x4096xf32, #tpu.memory_space<vmem>>, vector<16xf32>,
        tpu.vector_store %arg12[%swap3A_269, %swap3A_270], %mul3A_267 {strides = array<i32>} : memref<4x4096xf32, #tpu.memory_space<vmem>>, vector<16xf32>,
      }
      %scan3A_166 = arith.constant 32 : i32
      %mul3A_167 = arith.constant 4 : i32
      %mul3A_168 = arith.muli %add3A_110, %mul3A_167 : i32
      %add3A_169 = arith.addi %mul3A_6, %mul3A_168 : i32
      %dma_start3A_170 = arith.constant 0 : i32
      %dma_start3A_171 = tpu.memref_slice %arg5[%add3A_169, %dma_start3A_170] : memref<1536x4096xf32, #tpu.memory_space<hbm>> -> memref<4x4096xf32, #tpu.memory_space<hbm>>
      %dma_start3A_172 = arith.constant 0 : i32
      %dma_start3A_173 = tpu.memref_slice %arg5[%add3A_169, %dma_start3A_172] : memref<1536x4096xf32, #tpu.memory_space<hbm>> -> memref<4x4096xf32, #tpu.memory_space<hbm>>
      tpu.enqueue_dma source(%arg12 : memref<4x4096xf32, #tpu.memory_space<vmem>>) target(%dma_start3A_173 : memref<4x4096xf32, #tpu.memory_space<hbm>>) target_semaphore(%arg16 : memref<!tpu.dma_semaphore, #tpu.memory_space<semaphore_mem>>)
      %add3A_174 = arith.constant 2 : i32
      %add3A_175 = arith.addi %add3A_110, %add3A_174 : i32
      %lt3A_176 = arith.constant 12 : i32
      %lt3A_177 = arith.cmpi slt, %add3A_175, %lt3A_176 : i32
      %convert_element_type3A_178 = arith.extui %lt3A_177 : i1 to i32
      %cond3A_179 = arith.constant 0 : i32
      %cond3A_180 = arith.cmpi ne, %convert_element_type3A_178, %cond3A_179 : i32
      scf.if %cond3A_180 {
        %add3A_181 = arith.constant 2 : i32
        %add3A_182 = arith.addi %add3A_110, %add3A_181 : i32
        %mul3A_183 = arith.constant 4 : i32
        %mul3A_184 = arith.muli %add3A_182, %mul3A_183 : i32
        %add3A_185 = arith.addi %add3A_4, %mul3A_184 : i32
        %dma_start3A_186 = arith.constant 0 : i32
        %dma_start3A_187 = tpu.memref_slice %arg4[%add3A_185, %dma_start3A_186] : memref<4096x4096xf32, #tpu.memory_space<hbm>> -> memref<4x4096xf32, #tpu.memory_space<hbm>>
        %dma_start3A_188 = arith.constant 0 : i32
        %dma_start3A_189 = tpu.memref_slice %arg4[%add3A_185, %dma_start3A_188] : memref<4096x4096xf32, #tpu.memory_space<hbm>> -> memref<4x4096xf32, #tpu.memory_space<hbm>>
        tpu.enqueue_dma source(%dma_start3A_189 : memref<4x4096xf32, #tpu.memory_space<hbm>>) target(%arg10 : memref<4x4096xf32, #tpu.memory_space<vmem>>) target_semaphore(%arg14 : memref<!tpu.dma_semaphore, #tpu.memory_space<semaphore_mem>>)
      } else {
      }
    }
    %scan3A_26 = arith.constant 6 : i32
    %add3A_27 = arith.constant 40 : i32
    %add3A_28 = arith.addi %mul3A_6, %add3A_27 : i32
    %dma_wait3A = arith.constant 0 : i32
    %dma_wait3A_29 = tpu.memref_slice %arg5[%add3A_28, %dma_wait3A] : memref<1536x4096xf32, #tpu.memory_space<hbm>> -> memref<4x4096xf32, #tpu.memory_space<hbm>>
    %dma_wait3A_30 = arith.constant 0 : i32
    %dma_wait3A_31 = tpu.memref_slice %arg5[%add3A_28, %dma_wait3A_30] : memref<1536x4096xf32, #tpu.memory_space<hbm>> -> memref<4x4096xf32, #tpu.memory_space<hbm>>
    tpu.wait_dma2 semaphore(%arg15 : memref<!tpu.dma_semaphore, #tpu.memory_space<semaphore_mem>>) src(%arg11 : memref<4x4096xf32, #tpu.memory_space<vmem>>) dst(%dma_wait3A_31 : memref<4x4096xf32, #tpu.memory_space<hbm>>)
    %add3A_32 = arith.constant 44 : i32
    %add3A_33 = arith.addi %mul3A_6, %add3A_32 : i32
    %dma_wait3A_34 = arith.constant 0 : i32
    %dma_wait3A_35 = tpu.memref_slice %arg5[%add3A_33, %dma_wait3A_34] : memref<1536x4096xf32, #tpu.memory_space<hbm>> -> memref<4x4096xf32, #tpu.memory_space<hbm>>
    %dma_wait3A_36 = arith.constant 0 : i32
    %dma_wait3A_37 = tpu.memref_slice %arg5[%add3A_33, %dma_wait3A_36] : memref<1536x4096xf32, #tpu.memory_space<hbm>> -> memref<4x4096xf32, #tpu.memory_space<hbm>>
    tpu.wait_dma2 semaphore(%arg16 : memref<!tpu.dma_semaphore, #tpu.memory_space<semaphore_mem>>) src(%arg12 : memref<4x4096xf32, #tpu.memory_space<vmem>>) dst(%dma_wait3A_37 : memref<4x4096xf32, #tpu.memory_space<hbm>>)
    return
  }
}

module attributes {stable_mosaic.version = 14 : i64} {
  func.func @_tc_body(%arg0: i32, %arg1: memref<4096xi32, #tpu.memory_space<vmem>>, %arg2: memref<64xf32, #tpu.memory_space<smem>>, %arg3: memref<512x4096xf32, #tpu.memory_space<vmem>>, %arg4: memref<512x4096xf32, #tpu.memory_space<vmem>>) attributes {dimension_semantics = [#tpu.dimension_semantics<arbitrary>], iteration_bounds = array<i64: 5>, scalar_prefetch = 0 : i64, scratch_operands = 0 : i64, tpu.core_type = #tpu.core_type<tc>, window_params = [{pipeline_mode = #tpu.pipeline_mode<synchronous>, transform_indices = @transform_0, window_bounds = array<i64: 4096>}, {transform_indices = @transform_1, window_bounds = array<i64: 64>}, {transform_indices = @transform_2, window_bounds = array<i64: 512, 4096>}, {transform_indices = @transform_3, window_bounds = array<i64: 512, 4096>}]} {
    %mul3A = arith.constant 512 : i32
    %mul3A_0 = arith.muli %arg0, %mul3A : i32
    %get3A = arith.index_cast %mul3A_0 : i32 to index
    %get3A_1 = vector.load %arg1[%get3A] : memref<4096xi32, #tpu.memory_space<vmem>>, vector<512xi32>
    %min3A = arith.constant 63 : i32
    %min3A_2 = vector.broadcast %min3A : i32 to vector<512xi32>
    %min3A_3 = arith.minsi %get3A_1, %min3A_2 : vector<512xi32>
    %get3A_4 = arith.constant 0 : index
    %get3A_5 = memref.load %arg2[%get3A_4] : memref<64xf32, #tpu.memory_space<smem>>
    %broadcast_in_dim3A = vector.broadcast %get3A_5 : f32 to vector<512xf32>
    %eq3A = arith.constant 1 : i32
    %eq3A_6 = vector.broadcast %eq3A : i32 to vector<512xi32>
    %eq3A_7 = arith.cmpi eq, %min3A_3, %eq3A_6 : vector<512xi32>
    %get3A_8 = arith.constant 1 : index
    %get3A_9 = memref.load %arg2[%get3A_8] : memref<64xf32, #tpu.memory_space<smem>>
    %broadcast_in_dim3A_10 = vector.broadcast %get3A_9 : f32 to vector<512xf32>
    %select_n3A = arith.select %eq3A_7, %broadcast_in_dim3A_10, %broadcast_in_dim3A : vector<512xi1>, vector<512xf32>
    %eq3A_11 = arith.constant 2 : i32
    %eq3A_12 = vector.broadcast %eq3A_11 : i32 to vector<512xi32>
    %eq3A_13 = arith.cmpi eq, %min3A_3, %eq3A_12 : vector<512xi32>
    %get3A_14 = arith.constant 2 : index
    %get3A_15 = memref.load %arg2[%get3A_14] : memref<64xf32, #tpu.memory_space<smem>>
    %broadcast_in_dim3A_16 = vector.broadcast %get3A_15 : f32 to vector<512xf32>
    %select_n3A_17 = arith.select %eq3A_13, %broadcast_in_dim3A_16, %select_n3A : vector<512xi1>, vector<512xf32>
    %eq3A_18 = arith.constant 3 : i32
    %eq3A_19 = vector.broadcast %eq3A_18 : i32 to vector<512xi32>
    %eq3A_20 = arith.cmpi eq, %min3A_3, %eq3A_19 : vector<512xi32>
    %get3A_21 = arith.constant 3 : index
    %get3A_22 = memref.load %arg2[%get3A_21] : memref<64xf32, #tpu.memory_space<smem>>
    %broadcast_in_dim3A_23 = vector.broadcast %get3A_22 : f32 to vector<512xf32>
    %select_n3A_24 = arith.select %eq3A_20, %broadcast_in_dim3A_23, %select_n3A_17 : vector<512xi1>, vector<512xf32>
    %eq3A_25 = arith.constant 4 : i32
    %eq3A_26 = vector.broadcast %eq3A_25 : i32 to vector<512xi32>
    %eq3A_27 = arith.cmpi eq, %min3A_3, %eq3A_26 : vector<512xi32>
    %get3A_28 = arith.constant 4 : index
    %get3A_29 = memref.load %arg2[%get3A_28] : memref<64xf32, #tpu.memory_space<smem>>
    %broadcast_in_dim3A_30 = vector.broadcast %get3A_29 : f32 to vector<512xf32>
    %select_n3A_31 = arith.select %eq3A_27, %broadcast_in_dim3A_30, %select_n3A_24 : vector<512xi1>, vector<512xf32>
    %eq3A_32 = arith.constant 5 : i32
    %eq3A_33 = vector.broadcast %eq3A_32 : i32 to vector<512xi32>
    %eq3A_34 = arith.cmpi eq, %min3A_3, %eq3A_33 : vector<512xi32>
    %get3A_35 = arith.constant 5 : index
    %get3A_36 = memref.load %arg2[%get3A_35] : memref<64xf32, #tpu.memory_space<smem>>
    %broadcast_in_dim3A_37 = vector.broadcast %get3A_36 : f32 to vector<512xf32>
    %select_n3A_38 = arith.select %eq3A_34, %broadcast_in_dim3A_37, %select_n3A_31 : vector<512xi1>, vector<512xf32>
    %eq3A_39 = arith.constant 6 : i32
    %eq3A_40 = vector.broadcast %eq3A_39 : i32 to vector<512xi32>
    %eq3A_41 = arith.cmpi eq, %min3A_3, %eq3A_40 : vector<512xi32>
    %get3A_42 = arith.constant 6 : index
    %get3A_43 = memref.load %arg2[%get3A_42] : memref<64xf32, #tpu.memory_space<smem>>
    %broadcast_in_dim3A_44 = vector.broadcast %get3A_43 : f32 to vector<512xf32>
    %select_n3A_45 = arith.select %eq3A_41, %broadcast_in_dim3A_44, %select_n3A_38 : vector<512xi1>, vector<512xf32>
    %eq3A_46 = arith.constant 7 : i32
    %eq3A_47 = vector.broadcast %eq3A_46 : i32 to vector<512xi32>
    %eq3A_48 = arith.cmpi eq, %min3A_3, %eq3A_47 : vector<512xi32>
    %get3A_49 = arith.constant 7 : index
    %get3A_50 = memref.load %arg2[%get3A_49] : memref<64xf32, #tpu.memory_space<smem>>
    %broadcast_in_dim3A_51 = vector.broadcast %get3A_50 : f32 to vector<512xf32>
    %select_n3A_52 = arith.select %eq3A_48, %broadcast_in_dim3A_51, %select_n3A_45 : vector<512xi1>, vector<512xf32>
    %eq3A_53 = arith.constant 8 : i32
    %eq3A_54 = vector.broadcast %eq3A_53 : i32 to vector<512xi32>
    %eq3A_55 = arith.cmpi eq, %min3A_3, %eq3A_54 : vector<512xi32>
    %get3A_56 = arith.constant 8 : index
    %get3A_57 = memref.load %arg2[%get3A_56] : memref<64xf32, #tpu.memory_space<smem>>
    %broadcast_in_dim3A_58 = vector.broadcast %get3A_57 : f32 to vector<512xf32>
    %select_n3A_59 = arith.select %eq3A_55, %broadcast_in_dim3A_58, %select_n3A_52 : vector<512xi1>, vector<512xf32>
    %eq3A_60 = arith.constant 9 : i32
    %eq3A_61 = vector.broadcast %eq3A_60 : i32 to vector<512xi32>
    %eq3A_62 = arith.cmpi eq, %min3A_3, %eq3A_61 : vector<512xi32>
    %get3A_63 = arith.constant 9 : index
    %get3A_64 = memref.load %arg2[%get3A_63] : memref<64xf32, #tpu.memory_space<smem>>
    %broadcast_in_dim3A_65 = vector.broadcast %get3A_64 : f32 to vector<512xf32>
    %select_n3A_66 = arith.select %eq3A_62, %broadcast_in_dim3A_65, %select_n3A_59 : vector<512xi1>, vector<512xf32>
    %eq3A_67 = arith.constant 10 : i32
    %eq3A_68 = vector.broadcast %eq3A_67 : i32 to vector<512xi32>
    %eq3A_69 = arith.cmpi eq, %min3A_3, %eq3A_68 : vector<512xi32>
    %get3A_70 = arith.constant 10 : index
    %get3A_71 = memref.load %arg2[%get3A_70] : memref<64xf32, #tpu.memory_space<smem>>
    %broadcast_in_dim3A_72 = vector.broadcast %get3A_71 : f32 to vector<512xf32>
    %select_n3A_73 = arith.select %eq3A_69, %broadcast_in_dim3A_72, %select_n3A_66 : vector<512xi1>, vector<512xf32>
    %eq3A_74 = arith.constant 11 : i32
    %eq3A_75 = vector.broadcast %eq3A_74 : i32 to vector<512xi32>
    %eq3A_76 = arith.cmpi eq, %min3A_3, %eq3A_75 : vector<512xi32>
    %get3A_77 = arith.constant 11 : index
    %get3A_78 = memref.load %arg2[%get3A_77] : memref<64xf32, #tpu.memory_space<smem>>
    %broadcast_in_dim3A_79 = vector.broadcast %get3A_78 : f32 to vector<512xf32>
    %select_n3A_80 = arith.select %eq3A_76, %broadcast_in_dim3A_79, %select_n3A_73 : vector<512xi1>, vector<512xf32>
    %eq3A_81 = arith.constant 12 : i32
    %eq3A_82 = vector.broadcast %eq3A_81 : i32 to vector<512xi32>
    %eq3A_83 = arith.cmpi eq, %min3A_3, %eq3A_82 : vector<512xi32>
    %get3A_84 = arith.constant 12 : index
    %get3A_85 = memref.load %arg2[%get3A_84] : memref<64xf32, #tpu.memory_space<smem>>
    %broadcast_in_dim3A_86 = vector.broadcast %get3A_85 : f32 to vector<512xf32>
    %select_n3A_87 = arith.select %eq3A_83, %broadcast_in_dim3A_86, %select_n3A_80 : vector<512xi1>, vector<512xf32>
    %eq3A_88 = arith.constant 13 : i32
    %eq3A_89 = vector.broadcast %eq3A_88 : i32 to vector<512xi32>
    %eq3A_90 = arith.cmpi eq, %min3A_3, %eq3A_89 : vector<512xi32>
    %get3A_91 = arith.constant 13 : index
    %get3A_92 = memref.load %arg2[%get3A_91] : memref<64xf32, #tpu.memory_space<smem>>
    %broadcast_in_dim3A_93 = vector.broadcast %get3A_92 : f32 to vector<512xf32>
    %select_n3A_94 = arith.select %eq3A_90, %broadcast_in_dim3A_93, %select_n3A_87 : vector<512xi1>, vector<512xf32>
    %eq3A_95 = arith.constant 14 : i32
    %eq3A_96 = vector.broadcast %eq3A_95 : i32 to vector<512xi32>
    %eq3A_97 = arith.cmpi eq, %min3A_3, %eq3A_96 : vector<512xi32>
    %get3A_98 = arith.constant 14 : index
    %get3A_99 = memref.load %arg2[%get3A_98] : memref<64xf32, #tpu.memory_space<smem>>
    %broadcast_in_dim3A_100 = vector.broadcast %get3A_99 : f32 to vector<512xf32>
    %select_n3A_101 = arith.select %eq3A_97, %broadcast_in_dim3A_100, %select_n3A_94 : vector<512xi1>, vector<512xf32>
    %eq3A_102 = arith.constant 15 : i32
    %eq3A_103 = vector.broadcast %eq3A_102 : i32 to vector<512xi32>
    %eq3A_104 = arith.cmpi eq, %min3A_3, %eq3A_103 : vector<512xi32>
    %get3A_105 = arith.constant 15 : index
    %get3A_106 = memref.load %arg2[%get3A_105] : memref<64xf32, #tpu.memory_space<smem>>
    %broadcast_in_dim3A_107 = vector.broadcast %get3A_106 : f32 to vector<512xf32>
    %select_n3A_108 = arith.select %eq3A_104, %broadcast_in_dim3A_107, %select_n3A_101 : vector<512xi1>, vector<512xf32>
    %eq3A_109 = arith.constant 16 : i32
    %eq3A_110 = vector.broadcast %eq3A_109 : i32 to vector<512xi32>
    %eq3A_111 = arith.cmpi eq, %min3A_3, %eq3A_110 : vector<512xi32>
    %get3A_112 = arith.constant 16 : index
    %get3A_113 = memref.load %arg2[%get3A_112] : memref<64xf32, #tpu.memory_space<smem>>
    %broadcast_in_dim3A_114 = vector.broadcast %get3A_113 : f32 to vector<512xf32>
    %select_n3A_115 = arith.select %eq3A_111, %broadcast_in_dim3A_114, %select_n3A_108 : vector<512xi1>, vector<512xf32>
    %eq3A_116 = arith.constant 17 : i32
    %eq3A_117 = vector.broadcast %eq3A_116 : i32 to vector<512xi32>
    %eq3A_118 = arith.cmpi eq, %min3A_3, %eq3A_117 : vector<512xi32>
    %get3A_119 = arith.constant 17 : index
    %get3A_120 = memref.load %arg2[%get3A_119] : memref<64xf32, #tpu.memory_space<smem>>
    %broadcast_in_dim3A_121 = vector.broadcast %get3A_120 : f32 to vector<512xf32>
    %select_n3A_122 = arith.select %eq3A_118, %broadcast_in_dim3A_121, %select_n3A_115 : vector<512xi1>, vector<512xf32>
    %eq3A_123 = arith.constant 18 : i32
    %eq3A_124 = vector.broadcast %eq3A_123 : i32 to vector<512xi32>
    %eq3A_125 = arith.cmpi eq, %min3A_3, %eq3A_124 : vector<512xi32>
    %get3A_126 = arith.constant 18 : index
    %get3A_127 = memref.load %arg2[%get3A_126] : memref<64xf32, #tpu.memory_space<smem>>
    %broadcast_in_dim3A_128 = vector.broadcast %get3A_127 : f32 to vector<512xf32>
    %select_n3A_129 = arith.select %eq3A_125, %broadcast_in_dim3A_128, %select_n3A_122 : vector<512xi1>, vector<512xf32>
    %eq3A_130 = arith.constant 19 : i32
    %eq3A_131 = vector.broadcast %eq3A_130 : i32 to vector<512xi32>
    %eq3A_132 = arith.cmpi eq, %min3A_3, %eq3A_131 : vector<512xi32>
    %get3A_133 = arith.constant 19 : index
    %get3A_134 = memref.load %arg2[%get3A_133] : memref<64xf32, #tpu.memory_space<smem>>
    %broadcast_in_dim3A_135 = vector.broadcast %get3A_134 : f32 to vector<512xf32>
    %select_n3A_136 = arith.select %eq3A_132, %broadcast_in_dim3A_135, %select_n3A_129 : vector<512xi1>, vector<512xf32>
    %eq3A_137 = arith.constant 20 : i32
    %eq3A_138 = vector.broadcast %eq3A_137 : i32 to vector<512xi32>
    %eq3A_139 = arith.cmpi eq, %min3A_3, %eq3A_138 : vector<512xi32>
    %get3A_140 = arith.constant 20 : index
    %get3A_141 = memref.load %arg2[%get3A_140] : memref<64xf32, #tpu.memory_space<smem>>
    %broadcast_in_dim3A_142 = vector.broadcast %get3A_141 : f32 to vector<512xf32>
    %select_n3A_143 = arith.select %eq3A_139, %broadcast_in_dim3A_142, %select_n3A_136 : vector<512xi1>, vector<512xf32>
    %eq3A_144 = arith.constant 21 : i32
    %eq3A_145 = vector.broadcast %eq3A_144 : i32 to vector<512xi32>
    %eq3A_146 = arith.cmpi eq, %min3A_3, %eq3A_145 : vector<512xi32>
    %get3A_147 = arith.constant 21 : index
    %get3A_148 = memref.load %arg2[%get3A_147] : memref<64xf32, #tpu.memory_space<smem>>
    %broadcast_in_dim3A_149 = vector.broadcast %get3A_148 : f32 to vector<512xf32>
    %select_n3A_150 = arith.select %eq3A_146, %broadcast_in_dim3A_149, %select_n3A_143 : vector<512xi1>, vector<512xf32>
    %eq3A_151 = arith.constant 22 : i32
    %eq3A_152 = vector.broadcast %eq3A_151 : i32 to vector<512xi32>
    %eq3A_153 = arith.cmpi eq, %min3A_3, %eq3A_152 : vector<512xi32>
    %get3A_154 = arith.constant 22 : index
    %get3A_155 = memref.load %arg2[%get3A_154] : memref<64xf32, #tpu.memory_space<smem>>
    %broadcast_in_dim3A_156 = vector.broadcast %get3A_155 : f32 to vector<512xf32>
    %select_n3A_157 = arith.select %eq3A_153, %broadcast_in_dim3A_156, %select_n3A_150 : vector<512xi1>, vector<512xf32>
    %eq3A_158 = arith.constant 23 : i32
    %eq3A_159 = vector.broadcast %eq3A_158 : i32 to vector<512xi32>
    %eq3A_160 = arith.cmpi eq, %min3A_3, %eq3A_159 : vector<512xi32>
    %get3A_161 = arith.constant 23 : index
    %get3A_162 = memref.load %arg2[%get3A_161] : memref<64xf32, #tpu.memory_space<smem>>
    %broadcast_in_dim3A_163 = vector.broadcast %get3A_162 : f32 to vector<512xf32>
    %select_n3A_164 = arith.select %eq3A_160, %broadcast_in_dim3A_163, %select_n3A_157 : vector<512xi1>, vector<512xf32>
    %eq3A_165 = arith.constant 24 : i32
    %eq3A_166 = vector.broadcast %eq3A_165 : i32 to vector<512xi32>
    %eq3A_167 = arith.cmpi eq, %min3A_3, %eq3A_166 : vector<512xi32>
    %get3A_168 = arith.constant 24 : index
    %get3A_169 = memref.load %arg2[%get3A_168] : memref<64xf32, #tpu.memory_space<smem>>
    %broadcast_in_dim3A_170 = vector.broadcast %get3A_169 : f32 to vector<512xf32>
    %select_n3A_171 = arith.select %eq3A_167, %broadcast_in_dim3A_170, %select_n3A_164 : vector<512xi1>, vector<512xf32>
    %eq3A_172 = arith.constant 25 : i32
    %eq3A_173 = vector.broadcast %eq3A_172 : i32 to vector<512xi32>
    %eq3A_174 = arith.cmpi eq, %min3A_3, %eq3A_173 : vector<512xi32>
    %get3A_175 = arith.constant 25 : index
    %get3A_176 = memref.load %arg2[%get3A_175] : memref<64xf32, #tpu.memory_space<smem>>
    %broadcast_in_dim3A_177 = vector.broadcast %get3A_176 : f32 to vector<512xf32>
    %select_n3A_178 = arith.select %eq3A_174, %broadcast_in_dim3A_177, %select_n3A_171 : vector<512xi1>, vector<512xf32>
    %eq3A_179 = arith.constant 26 : i32
    %eq3A_180 = vector.broadcast %eq3A_179 : i32 to vector<512xi32>
    %eq3A_181 = arith.cmpi eq, %min3A_3, %eq3A_180 : vector<512xi32>
    %get3A_182 = arith.constant 26 : index
    %get3A_183 = memref.load %arg2[%get3A_182] : memref<64xf32, #tpu.memory_space<smem>>
    %broadcast_in_dim3A_184 = vector.broadcast %get3A_183 : f32 to vector<512xf32>
    %select_n3A_185 = arith.select %eq3A_181, %broadcast_in_dim3A_184, %select_n3A_178 : vector<512xi1>, vector<512xf32>
    %eq3A_186 = arith.constant 27 : i32
    %eq3A_187 = vector.broadcast %eq3A_186 : i32 to vector<512xi32>
    %eq3A_188 = arith.cmpi eq, %min3A_3, %eq3A_187 : vector<512xi32>
    %get3A_189 = arith.constant 27 : index
    %get3A_190 = memref.load %arg2[%get3A_189] : memref<64xf32, #tpu.memory_space<smem>>
    %broadcast_in_dim3A_191 = vector.broadcast %get3A_190 : f32 to vector<512xf32>
    %select_n3A_192 = arith.select %eq3A_188, %broadcast_in_dim3A_191, %select_n3A_185 : vector<512xi1>, vector<512xf32>
    %eq3A_193 = arith.constant 28 : i32
    %eq3A_194 = vector.broadcast %eq3A_193 : i32 to vector<512xi32>
    %eq3A_195 = arith.cmpi eq, %min3A_3, %eq3A_194 : vector<512xi32>
    %get3A_196 = arith.constant 28 : index
    %get3A_197 = memref.load %arg2[%get3A_196] : memref<64xf32, #tpu.memory_space<smem>>
    %broadcast_in_dim3A_198 = vector.broadcast %get3A_197 : f32 to vector<512xf32>
    %select_n3A_199 = arith.select %eq3A_195, %broadcast_in_dim3A_198, %select_n3A_192 : vector<512xi1>, vector<512xf32>
    %eq3A_200 = arith.constant 29 : i32
    %eq3A_201 = vector.broadcast %eq3A_200 : i32 to vector<512xi32>
    %eq3A_202 = arith.cmpi eq, %min3A_3, %eq3A_201 : vector<512xi32>
    %get3A_203 = arith.constant 29 : index
    %get3A_204 = memref.load %arg2[%get3A_203] : memref<64xf32, #tpu.memory_space<smem>>
    %broadcast_in_dim3A_205 = vector.broadcast %get3A_204 : f32 to vector<512xf32>
    %select_n3A_206 = arith.select %eq3A_202, %broadcast_in_dim3A_205, %select_n3A_199 : vector<512xi1>, vector<512xf32>
    %eq3A_207 = arith.constant 30 : i32
    %eq3A_208 = vector.broadcast %eq3A_207 : i32 to vector<512xi32>
    %eq3A_209 = arith.cmpi eq, %min3A_3, %eq3A_208 : vector<512xi32>
    %get3A_210 = arith.constant 30 : index
    %get3A_211 = memref.load %arg2[%get3A_210] : memref<64xf32, #tpu.memory_space<smem>>
    %broadcast_in_dim3A_212 = vector.broadcast %get3A_211 : f32 to vector<512xf32>
    %select_n3A_213 = arith.select %eq3A_209, %broadcast_in_dim3A_212, %select_n3A_206 : vector<512xi1>, vector<512xf32>
    %eq3A_214 = arith.constant 31 : i32
    %eq3A_215 = vector.broadcast %eq3A_214 : i32 to vector<512xi32>
    %eq3A_216 = arith.cmpi eq, %min3A_3, %eq3A_215 : vector<512xi32>
    %get3A_217 = arith.constant 31 : index
    %get3A_218 = memref.load %arg2[%get3A_217] : memref<64xf32, #tpu.memory_space<smem>>
    %broadcast_in_dim3A_219 = vector.broadcast %get3A_218 : f32 to vector<512xf32>
    %select_n3A_220 = arith.select %eq3A_216, %broadcast_in_dim3A_219, %select_n3A_213 : vector<512xi1>, vector<512xf32>
    %eq3A_221 = arith.constant 32 : i32
    %eq3A_222 = vector.broadcast %eq3A_221 : i32 to vector<512xi32>
    %eq3A_223 = arith.cmpi eq, %min3A_3, %eq3A_222 : vector<512xi32>
    %get3A_224 = arith.constant 32 : index
    %get3A_225 = memref.load %arg2[%get3A_224] : memref<64xf32, #tpu.memory_space<smem>>
    %broadcast_in_dim3A_226 = vector.broadcast %get3A_225 : f32 to vector<512xf32>
    %select_n3A_227 = arith.select %eq3A_223, %broadcast_in_dim3A_226, %select_n3A_220 : vector<512xi1>, vector<512xf32>
    %eq3A_228 = arith.constant 33 : i32
    %eq3A_229 = vector.broadcast %eq3A_228 : i32 to vector<512xi32>
    %eq3A_230 = arith.cmpi eq, %min3A_3, %eq3A_229 : vector<512xi32>
    %get3A_231 = arith.constant 33 : index
    %get3A_232 = memref.load %arg2[%get3A_231] : memref<64xf32, #tpu.memory_space<smem>>
    %broadcast_in_dim3A_233 = vector.broadcast %get3A_232 : f32 to vector<512xf32>
    %select_n3A_234 = arith.select %eq3A_230, %broadcast_in_dim3A_233, %select_n3A_227 : vector<512xi1>, vector<512xf32>
    %eq3A_235 = arith.constant 34 : i32
    %eq3A_236 = vector.broadcast %eq3A_235 : i32 to vector<512xi32>
    %eq3A_237 = arith.cmpi eq, %min3A_3, %eq3A_236 : vector<512xi32>
    %get3A_238 = arith.constant 34 : index
    %get3A_239 = memref.load %arg2[%get3A_238] : memref<64xf32, #tpu.memory_space<smem>>
    %broadcast_in_dim3A_240 = vector.broadcast %get3A_239 : f32 to vector<512xf32>
    %select_n3A_241 = arith.select %eq3A_237, %broadcast_in_dim3A_240, %select_n3A_234 : vector<512xi1>, vector<512xf32>
    %eq3A_242 = arith.constant 35 : i32
    %eq3A_243 = vector.broadcast %eq3A_242 : i32 to vector<512xi32>
    %eq3A_244 = arith.cmpi eq, %min3A_3, %eq3A_243 : vector<512xi32>
    %get3A_245 = arith.constant 35 : index
    %get3A_246 = memref.load %arg2[%get3A_245] : memref<64xf32, #tpu.memory_space<smem>>
    %broadcast_in_dim3A_247 = vector.broadcast %get3A_246 : f32 to vector<512xf32>
    %select_n3A_248 = arith.select %eq3A_244, %broadcast_in_dim3A_247, %select_n3A_241 : vector<512xi1>, vector<512xf32>
    %eq3A_249 = arith.constant 36 : i32
    %eq3A_250 = vector.broadcast %eq3A_249 : i32 to vector<512xi32>
    %eq3A_251 = arith.cmpi eq, %min3A_3, %eq3A_250 : vector<512xi32>
    %get3A_252 = arith.constant 36 : index
    %get3A_253 = memref.load %arg2[%get3A_252] : memref<64xf32, #tpu.memory_space<smem>>
    %broadcast_in_dim3A_254 = vector.broadcast %get3A_253 : f32 to vector<512xf32>
    %select_n3A_255 = arith.select %eq3A_251, %broadcast_in_dim3A_254, %select_n3A_248 : vector<512xi1>, vector<512xf32>
    %eq3A_256 = arith.constant 37 : i32
    %eq3A_257 = vector.broadcast %eq3A_256 : i32 to vector<512xi32>
    %eq3A_258 = arith.cmpi eq, %min3A_3, %eq3A_257 : vector<512xi32>
    %get3A_259 = arith.constant 37 : index
    %get3A_260 = memref.load %arg2[%get3A_259] : memref<64xf32, #tpu.memory_space<smem>>
    %broadcast_in_dim3A_261 = vector.broadcast %get3A_260 : f32 to vector<512xf32>
    %select_n3A_262 = arith.select %eq3A_258, %broadcast_in_dim3A_261, %select_n3A_255 : vector<512xi1>, vector<512xf32>
    %eq3A_263 = arith.constant 38 : i32
    %eq3A_264 = vector.broadcast %eq3A_263 : i32 to vector<512xi32>
    %eq3A_265 = arith.cmpi eq, %min3A_3, %eq3A_264 : vector<512xi32>
    %get3A_266 = arith.constant 38 : index
    %get3A_267 = memref.load %arg2[%get3A_266] : memref<64xf32, #tpu.memory_space<smem>>
    %broadcast_in_dim3A_268 = vector.broadcast %get3A_267 : f32 to vector<512xf32>
    %select_n3A_269 = arith.select %eq3A_265, %broadcast_in_dim3A_268, %select_n3A_262 : vector<512xi1>, vector<512xf32>
    %eq3A_270 = arith.constant 39 : i32
    %eq3A_271 = vector.broadcast %eq3A_270 : i32 to vector<512xi32>
    %eq3A_272 = arith.cmpi eq, %min3A_3, %eq3A_271 : vector<512xi32>
    %get3A_273 = arith.constant 39 : index
    %get3A_274 = memref.load %arg2[%get3A_273] : memref<64xf32, #tpu.memory_space<smem>>
    %broadcast_in_dim3A_275 = vector.broadcast %get3A_274 : f32 to vector<512xf32>
    %select_n3A_276 = arith.select %eq3A_272, %broadcast_in_dim3A_275, %select_n3A_269 : vector<512xi1>, vector<512xf32>
    %eq3A_277 = arith.constant 40 : i32
    %eq3A_278 = vector.broadcast %eq3A_277 : i32 to vector<512xi32>
    %eq3A_279 = arith.cmpi eq, %min3A_3, %eq3A_278 : vector<512xi32>
    %get3A_280 = arith.constant 40 : index
    %get3A_281 = memref.load %arg2[%get3A_280] : memref<64xf32, #tpu.memory_space<smem>>
    %broadcast_in_dim3A_282 = vector.broadcast %get3A_281 : f32 to vector<512xf32>
    %select_n3A_283 = arith.select %eq3A_279, %broadcast_in_dim3A_282, %select_n3A_276 : vector<512xi1>, vector<512xf32>
    %eq3A_284 = arith.constant 41 : i32
    %eq3A_285 = vector.broadcast %eq3A_284 : i32 to vector<512xi32>
    %eq3A_286 = arith.cmpi eq, %min3A_3, %eq3A_285 : vector<512xi32>
    %get3A_287 = arith.constant 41 : index
    %get3A_288 = memref.load %arg2[%get3A_287] : memref<64xf32, #tpu.memory_space<smem>>
    %broadcast_in_dim3A_289 = vector.broadcast %get3A_288 : f32 to vector<512xf32>
    %select_n3A_290 = arith.select %eq3A_286, %broadcast_in_dim3A_289, %select_n3A_283 : vector<512xi1>, vector<512xf32>
    %eq3A_291 = arith.constant 42 : i32
    %eq3A_292 = vector.broadcast %eq3A_291 : i32 to vector<512xi32>
    %eq3A_293 = arith.cmpi eq, %min3A_3, %eq3A_292 : vector<512xi32>
    %get3A_294 = arith.constant 42 : index
    %get3A_295 = memref.load %arg2[%get3A_294] : memref<64xf32, #tpu.memory_space<smem>>
    %broadcast_in_dim3A_296 = vector.broadcast %get3A_295 : f32 to vector<512xf32>
    %select_n3A_297 = arith.select %eq3A_293, %broadcast_in_dim3A_296, %select_n3A_290 : vector<512xi1>, vector<512xf32>
    %eq3A_298 = arith.constant 43 : i32
    %eq3A_299 = vector.broadcast %eq3A_298 : i32 to vector<512xi32>
    %eq3A_300 = arith.cmpi eq, %min3A_3, %eq3A_299 : vector<512xi32>
    %get3A_301 = arith.constant 43 : index
    %get3A_302 = memref.load %arg2[%get3A_301] : memref<64xf32, #tpu.memory_space<smem>>
    %broadcast_in_dim3A_303 = vector.broadcast %get3A_302 : f32 to vector<512xf32>
    %select_n3A_304 = arith.select %eq3A_300, %broadcast_in_dim3A_303, %select_n3A_297 : vector<512xi1>, vector<512xf32>
    %eq3A_305 = arith.constant 44 : i32
    %eq3A_306 = vector.broadcast %eq3A_305 : i32 to vector<512xi32>
    %eq3A_307 = arith.cmpi eq, %min3A_3, %eq3A_306 : vector<512xi32>
    %get3A_308 = arith.constant 44 : index
    %get3A_309 = memref.load %arg2[%get3A_308] : memref<64xf32, #tpu.memory_space<smem>>
    %broadcast_in_dim3A_310 = vector.broadcast %get3A_309 : f32 to vector<512xf32>
    %select_n3A_311 = arith.select %eq3A_307, %broadcast_in_dim3A_310, %select_n3A_304 : vector<512xi1>, vector<512xf32>
    %eq3A_312 = arith.constant 45 : i32
    %eq3A_313 = vector.broadcast %eq3A_312 : i32 to vector<512xi32>
    %eq3A_314 = arith.cmpi eq, %min3A_3, %eq3A_313 : vector<512xi32>
    %get3A_315 = arith.constant 45 : index
    %get3A_316 = memref.load %arg2[%get3A_315] : memref<64xf32, #tpu.memory_space<smem>>
    %broadcast_in_dim3A_317 = vector.broadcast %get3A_316 : f32 to vector<512xf32>
    %select_n3A_318 = arith.select %eq3A_314, %broadcast_in_dim3A_317, %select_n3A_311 : vector<512xi1>, vector<512xf32>
    %eq3A_319 = arith.constant 46 : i32
    %eq3A_320 = vector.broadcast %eq3A_319 : i32 to vector<512xi32>
    %eq3A_321 = arith.cmpi eq, %min3A_3, %eq3A_320 : vector<512xi32>
    %get3A_322 = arith.constant 46 : index
    %get3A_323 = memref.load %arg2[%get3A_322] : memref<64xf32, #tpu.memory_space<smem>>
    %broadcast_in_dim3A_324 = vector.broadcast %get3A_323 : f32 to vector<512xf32>
    %select_n3A_325 = arith.select %eq3A_321, %broadcast_in_dim3A_324, %select_n3A_318 : vector<512xi1>, vector<512xf32>
    %eq3A_326 = arith.constant 47 : i32
    %eq3A_327 = vector.broadcast %eq3A_326 : i32 to vector<512xi32>
    %eq3A_328 = arith.cmpi eq, %min3A_3, %eq3A_327 : vector<512xi32>
    %get3A_329 = arith.constant 47 : index
    %get3A_330 = memref.load %arg2[%get3A_329] : memref<64xf32, #tpu.memory_space<smem>>
    %broadcast_in_dim3A_331 = vector.broadcast %get3A_330 : f32 to vector<512xf32>
    %select_n3A_332 = arith.select %eq3A_328, %broadcast_in_dim3A_331, %select_n3A_325 : vector<512xi1>, vector<512xf32>
    %eq3A_333 = arith.constant 48 : i32
    %eq3A_334 = vector.broadcast %eq3A_333 : i32 to vector<512xi32>
    %eq3A_335 = arith.cmpi eq, %min3A_3, %eq3A_334 : vector<512xi32>
    %get3A_336 = arith.constant 48 : index
    %get3A_337 = memref.load %arg2[%get3A_336] : memref<64xf32, #tpu.memory_space<smem>>
    %broadcast_in_dim3A_338 = vector.broadcast %get3A_337 : f32 to vector<512xf32>
    %select_n3A_339 = arith.select %eq3A_335, %broadcast_in_dim3A_338, %select_n3A_332 : vector<512xi1>, vector<512xf32>
    %eq3A_340 = arith.constant 49 : i32
    %eq3A_341 = vector.broadcast %eq3A_340 : i32 to vector<512xi32>
    %eq3A_342 = arith.cmpi eq, %min3A_3, %eq3A_341 : vector<512xi32>
    %get3A_343 = arith.constant 49 : index
    %get3A_344 = memref.load %arg2[%get3A_343] : memref<64xf32, #tpu.memory_space<smem>>
    %broadcast_in_dim3A_345 = vector.broadcast %get3A_344 : f32 to vector<512xf32>
    %select_n3A_346 = arith.select %eq3A_342, %broadcast_in_dim3A_345, %select_n3A_339 : vector<512xi1>, vector<512xf32>
    %eq3A_347 = arith.constant 50 : i32
    %eq3A_348 = vector.broadcast %eq3A_347 : i32 to vector<512xi32>
    %eq3A_349 = arith.cmpi eq, %min3A_3, %eq3A_348 : vector<512xi32>
    %get3A_350 = arith.constant 50 : index
    %get3A_351 = memref.load %arg2[%get3A_350] : memref<64xf32, #tpu.memory_space<smem>>
    %broadcast_in_dim3A_352 = vector.broadcast %get3A_351 : f32 to vector<512xf32>
    %select_n3A_353 = arith.select %eq3A_349, %broadcast_in_dim3A_352, %select_n3A_346 : vector<512xi1>, vector<512xf32>
    %eq3A_354 = arith.constant 51 : i32
    %eq3A_355 = vector.broadcast %eq3A_354 : i32 to vector<512xi32>
    %eq3A_356 = arith.cmpi eq, %min3A_3, %eq3A_355 : vector<512xi32>
    %get3A_357 = arith.constant 51 : index
    %get3A_358 = memref.load %arg2[%get3A_357] : memref<64xf32, #tpu.memory_space<smem>>
    %broadcast_in_dim3A_359 = vector.broadcast %get3A_358 : f32 to vector<512xf32>
    %select_n3A_360 = arith.select %eq3A_356, %broadcast_in_dim3A_359, %select_n3A_353 : vector<512xi1>, vector<512xf32>
    %eq3A_361 = arith.constant 52 : i32
    %eq3A_362 = vector.broadcast %eq3A_361 : i32 to vector<512xi32>
    %eq3A_363 = arith.cmpi eq, %min3A_3, %eq3A_362 : vector<512xi32>
    %get3A_364 = arith.constant 52 : index
    %get3A_365 = memref.load %arg2[%get3A_364] : memref<64xf32, #tpu.memory_space<smem>>
    %broadcast_in_dim3A_366 = vector.broadcast %get3A_365 : f32 to vector<512xf32>
    %select_n3A_367 = arith.select %eq3A_363, %broadcast_in_dim3A_366, %select_n3A_360 : vector<512xi1>, vector<512xf32>
    %eq3A_368 = arith.constant 53 : i32
    %eq3A_369 = vector.broadcast %eq3A_368 : i32 to vector<512xi32>
    %eq3A_370 = arith.cmpi eq, %min3A_3, %eq3A_369 : vector<512xi32>
    %get3A_371 = arith.constant 53 : index
    %get3A_372 = memref.load %arg2[%get3A_371] : memref<64xf32, #tpu.memory_space<smem>>
    %broadcast_in_dim3A_373 = vector.broadcast %get3A_372 : f32 to vector<512xf32>
    %select_n3A_374 = arith.select %eq3A_370, %broadcast_in_dim3A_373, %select_n3A_367 : vector<512xi1>, vector<512xf32>
    %eq3A_375 = arith.constant 54 : i32
    %eq3A_376 = vector.broadcast %eq3A_375 : i32 to vector<512xi32>
    %eq3A_377 = arith.cmpi eq, %min3A_3, %eq3A_376 : vector<512xi32>
    %get3A_378 = arith.constant 54 : index
    %get3A_379 = memref.load %arg2[%get3A_378] : memref<64xf32, #tpu.memory_space<smem>>
    %broadcast_in_dim3A_380 = vector.broadcast %get3A_379 : f32 to vector<512xf32>
    %select_n3A_381 = arith.select %eq3A_377, %broadcast_in_dim3A_380, %select_n3A_374 : vector<512xi1>, vector<512xf32>
    %eq3A_382 = arith.constant 55 : i32
    %eq3A_383 = vector.broadcast %eq3A_382 : i32 to vector<512xi32>
    %eq3A_384 = arith.cmpi eq, %min3A_3, %eq3A_383 : vector<512xi32>
    %get3A_385 = arith.constant 55 : index
    %get3A_386 = memref.load %arg2[%get3A_385] : memref<64xf32, #tpu.memory_space<smem>>
    %broadcast_in_dim3A_387 = vector.broadcast %get3A_386 : f32 to vector<512xf32>
    %select_n3A_388 = arith.select %eq3A_384, %broadcast_in_dim3A_387, %select_n3A_381 : vector<512xi1>, vector<512xf32>
    %eq3A_389 = arith.constant 56 : i32
    %eq3A_390 = vector.broadcast %eq3A_389 : i32 to vector<512xi32>
    %eq3A_391 = arith.cmpi eq, %min3A_3, %eq3A_390 : vector<512xi32>
    %get3A_392 = arith.constant 56 : index
    %get3A_393 = memref.load %arg2[%get3A_392] : memref<64xf32, #tpu.memory_space<smem>>
    %broadcast_in_dim3A_394 = vector.broadcast %get3A_393 : f32 to vector<512xf32>
    %select_n3A_395 = arith.select %eq3A_391, %broadcast_in_dim3A_394, %select_n3A_388 : vector<512xi1>, vector<512xf32>
    %eq3A_396 = arith.constant 57 : i32
    %eq3A_397 = vector.broadcast %eq3A_396 : i32 to vector<512xi32>
    %eq3A_398 = arith.cmpi eq, %min3A_3, %eq3A_397 : vector<512xi32>
    %get3A_399 = arith.constant 57 : index
    %get3A_400 = memref.load %arg2[%get3A_399] : memref<64xf32, #tpu.memory_space<smem>>
    %broadcast_in_dim3A_401 = vector.broadcast %get3A_400 : f32 to vector<512xf32>
    %select_n3A_402 = arith.select %eq3A_398, %broadcast_in_dim3A_401, %select_n3A_395 : vector<512xi1>, vector<512xf32>
    %eq3A_403 = arith.constant 58 : i32
    %eq3A_404 = vector.broadcast %eq3A_403 : i32 to vector<512xi32>
    %eq3A_405 = arith.cmpi eq, %min3A_3, %eq3A_404 : vector<512xi32>
    %get3A_406 = arith.constant 58 : index
    %get3A_407 = memref.load %arg2[%get3A_406] : memref<64xf32, #tpu.memory_space<smem>>
    %broadcast_in_dim3A_408 = vector.broadcast %get3A_407 : f32 to vector<512xf32>
    %select_n3A_409 = arith.select %eq3A_405, %broadcast_in_dim3A_408, %select_n3A_402 : vector<512xi1>, vector<512xf32>
    %eq3A_410 = arith.constant 59 : i32
    %eq3A_411 = vector.broadcast %eq3A_410 : i32 to vector<512xi32>
    %eq3A_412 = arith.cmpi eq, %min3A_3, %eq3A_411 : vector<512xi32>
    %get3A_413 = arith.constant 59 : index
    %get3A_414 = memref.load %arg2[%get3A_413] : memref<64xf32, #tpu.memory_space<smem>>
    %broadcast_in_dim3A_415 = vector.broadcast %get3A_414 : f32 to vector<512xf32>
    %select_n3A_416 = arith.select %eq3A_412, %broadcast_in_dim3A_415, %select_n3A_409 : vector<512xi1>, vector<512xf32>
    %eq3A_417 = arith.constant 60 : i32
    %eq3A_418 = vector.broadcast %eq3A_417 : i32 to vector<512xi32>
    %eq3A_419 = arith.cmpi eq, %min3A_3, %eq3A_418 : vector<512xi32>
    %get3A_420 = arith.constant 60 : index
    %get3A_421 = memref.load %arg2[%get3A_420] : memref<64xf32, #tpu.memory_space<smem>>
    %broadcast_in_dim3A_422 = vector.broadcast %get3A_421 : f32 to vector<512xf32>
    %select_n3A_423 = arith.select %eq3A_419, %broadcast_in_dim3A_422, %select_n3A_416 : vector<512xi1>, vector<512xf32>
    %eq3A_424 = arith.constant 61 : i32
    %eq3A_425 = vector.broadcast %eq3A_424 : i32 to vector<512xi32>
    %eq3A_426 = arith.cmpi eq, %min3A_3, %eq3A_425 : vector<512xi32>
    %get3A_427 = arith.constant 61 : index
    %get3A_428 = memref.load %arg2[%get3A_427] : memref<64xf32, #tpu.memory_space<smem>>
    %broadcast_in_dim3A_429 = vector.broadcast %get3A_428 : f32 to vector<512xf32>
    %select_n3A_430 = arith.select %eq3A_426, %broadcast_in_dim3A_429, %select_n3A_423 : vector<512xi1>, vector<512xf32>
    %eq3A_431 = arith.constant 62 : i32
    %eq3A_432 = vector.broadcast %eq3A_431 : i32 to vector<512xi32>
    %eq3A_433 = arith.cmpi eq, %min3A_3, %eq3A_432 : vector<512xi32>
    %get3A_434 = arith.constant 62 : index
    %get3A_435 = memref.load %arg2[%get3A_434] : memref<64xf32, #tpu.memory_space<smem>>
    %broadcast_in_dim3A_436 = vector.broadcast %get3A_435 : f32 to vector<512xf32>
    %select_n3A_437 = arith.select %eq3A_433, %broadcast_in_dim3A_436, %select_n3A_430 : vector<512xi1>, vector<512xf32>
    %eq3A_438 = arith.constant 63 : i32
    %eq3A_439 = vector.broadcast %eq3A_438 : i32 to vector<512xi32>
    %eq3A_440 = arith.cmpi eq, %min3A_3, %eq3A_439 : vector<512xi32>
    %get3A_441 = arith.constant 63 : index
    %get3A_442 = memref.load %arg2[%get3A_441] : memref<64xf32, #tpu.memory_space<smem>>
    %broadcast_in_dim3A_443 = vector.broadcast %get3A_442 : f32 to vector<512xf32>
    %select_n3A_444 = arith.select %eq3A_440, %broadcast_in_dim3A_443, %select_n3A_437 : vector<512xi1>, vector<512xf32>
    %broadcast_in_dim3A_445 = vector.shape_cast %select_n3A_444 : vector<512xf32> to vector<512x1xf32>
    %get3A_446 = arith.constant 0 : index
    %get3A_447 = arith.constant 0 : index
    %get3A_448 = vector.load %arg3[%get3A_446, %get3A_447] : memref<512x4096xf32, #tpu.memory_space<vmem>>, vector<512x4096xf32>
    %mul3A_449 = vector.broadcast %broadcast_in_dim3A_445 : vector<512x1xf32> to vector<512x4096xf32>
    %mul3A_450 = arith.mulf %mul3A_449, %get3A_448 : vector<512x4096xf32>
    %swap3A = arith.constant 0 : index
    %swap3A_451 = arith.constant 0 : index
    %swap3A_452 = vector.load %arg4[%swap3A, %swap3A_451] : memref<512x4096xf32, #tpu.memory_space<vmem>>, vector<512x4096xf32>
    tpu.vector_store %arg4[%swap3A, %swap3A_451], %mul3A_450 {strides = array<i32>} : memref<512x4096xf32, #tpu.memory_space<vmem>>, vector<512x4096xf32>,
    return
  }
  func.func @transform_0(%arg0: i32) -> i32 {
    %c0_i32 = arith.constant 0 : i32
    %c0_i32_0 = arith.constant 0 : i32
    return %c0_i32 : i32
  }
  func.func @transform_1(%arg0: i32) -> i32 {
    %c0_i32 = arith.constant 0 : i32
    %c0_i32_0 = arith.constant 0 : i32
    return %c0_i32 : i32
  }
  func.func @transform_2(%arg0: i32) -> (i32, i32) {
    %c0_i32 = arith.constant 0 : i32
    %c0_i32_0 = arith.constant 0 : i32
    return %arg0, %c0_i32 : i32, i32
  }
  func.func @transform_3(%arg0: i32) -> (i32, i32) {
    %c0_i32 = arith.constant 0 : i32
    %c0_i32_0 = arith.constant 0 : i32
    return %arg0, %c0_i32 : i32, i32
  }
}

</mosaic_0001>

<sc_bundles>
// kernel: kernel.4.cloned.1.call-start
scs
__scs_entry_jumppad:
0x0: {  	(pc) =	sbr.rel $0x88, $3  }
0x1: {  	(tag) =	ssettag $0x0;
	lr =	simm.s32 $0x1  }
0x2: {  	[smem:$0x3F9E] =	sst lr;
	_ =	strace $0xD0000000  }
0x3: {  	_ = 	snop  }
0x4: {  	_ = 	snop  }
0x5: {  	_ = 	snop  }
0x6: {  	_ = 	snop  }
0x7: {  	_ = 	snop  }
__scs_overlays_trampoline_lowered:
0x8: {  	[smem:$0x3FAD] =	sst s0  }
0x9: {  	[smem:$0x3FAE] =	sst s1  }
0xa: {  	[smem:$0x3FAF] =	sst s2  }
0xb: {  	[smem:$0x3FB0] =	sst s3  }
0xc: {  	[smem:$0x3FB1] =	sst s4  }
0xd: {  	[smem:$0x3FB2] =	sst s5  }
0xe: {  	[smem:$0x3FB3] =	sst s6  }
0xf: {  	[smem:$0x3FB4] =	sst s7  }
0x10: {  	[smem:$0x3FB5] =	sst s8  }
0x11: {  	[smem:$0x3FB6] =	sst s9;
	s0 =	simm.s32 @!p0 $0x0  }
0x12: {  	s1 =	sld [smem:$0x3F9C];
	s0 =	simm.s32 @p0 $0x1  }
0x13: {  	[smem:$0x3FB7] =	sst s0;
	s0 =	simm.s32 @!p1 $0x0  }
0x14: {  	s2 =	sld [smem:$0x3F9B];
	s0 =	simm.s32 @p1 $0x1  }
0x15: {  	[smem:$0x3FB8] =	sst s0;
	s0 =	simm.s32 @!p2 $0x0  }
0x16: {  	s3 =	sld [smem:$0x3FDB];
	s0 =	simm.s32 @p2 $0x1  }
0x17: {  	s4 =	simm.s32 $0x1BF5;
	[smem:$0x3FBA] =	sst s0  }
0x18: {  	s0 =	sld [smem:$0x3F9D];
	_ =	swait.ge [sflag:s4], $0x0  }
0x19: {  	s7 =	sld [smem:$0x3F9E]  }
0x1a: {  	s8 =	sadd.s32 $0xFFFFE003, lr  }
0x1b: {  	s9 =	sadd.s32 $0xFFFFFEF7, lr;
	s5 =	simm.s32 $0xFFFFFFFF;
	p2 =	slt.u32 s8, $0xFFFFF086  }
0x1c: {  	p1 =	slt.u32 s9, $0xF7A;
	s5 =	simm.s32 @!p2 $0x0  }
0x1d: {  	s5 =	simm.s32 @p1 $0x1;
	p0 =	seq.s32 s7, s2  }
0x1e: {  	s7 =	smul.u32 @!p0 $0xF7A, s2;
	p2 =	seq.s32 @!p0 s5, $0x0  }
0x1f: {  	s9 =	smul.u32 $0xF7A, s1;
	s8 =	simm.s32 @!p0 $0x1BF5;
	p2 =	por !p2, p0  }
0x20: {  	[sflag:s8] =	ssyncset.s32 @!p0 $0xFFFFF086;
	s6 =	sadd.s32 @!p0 s3, s7;
	s7 =	simm.s32 @!p0 $0x108  }
0x21: {  	s3 =	sadd.s32 s3, s9;
	s6 =	sadd.s32 @!p0 $0x88, s6;
	s7 =	simm.s32 @p2 $0x1082  }
0x22: {  	[simem:s7], [sflag:s8] =	dma.local @!p0 [hbm:s6], $0xF7A  }
0x23: {  	s9 =	sor.u32 $0xD0000000, s2;
	s6 =	simm.s32 $0x108;
	_ =	swait.ge @!p0 [sflag:s8], $0x0  }
0x24: {  	s3 =	sadd.s32 $0x88, s3;
	s6 =	simm.s32 @!p1 $0x1082;
	[sflag:s4] =	ssyncset.s32 $0xFFFFF086  }
0x25: {  	[simem:s6], [sflag:s4] =	dma.local [hbm:s3], $0xF7A  }
0x26: {  	[smem:$0x3F9E] =	sst s1;
	(tag) =	ssettag s2;
	_ =	strace s9  }
0x27: {  	s1 =	sld [smem:$0x3FAE]  }
0x28: {  	s2 =	sld [smem:$0x3FAF]  }
0x29: {  	s4 =	sld [smem:$0x3FB1]  }
0x2a: {  	p0 =	seq.s32 s5, $0x0;
	s5 =	sld [smem:$0x3FB2]  }
0x2b: {  	s6 =	sld [smem:$0x3FB3]  }
0x2c: {  	s7 =	sld [smem:$0x3FB4]  }
0x2d: {  	s3 =	simm.s32 $0x108;
	s8 =	sld [smem:$0x3FB5]  }
0x2e: {  	s3 =	simm.s32 @!p0 $0x1082;
	s9 =	sld [smem:$0x3FB6]  }
0x2f: {  	lr =	sadd.s32 s0, s3;
	s0 =	sld [smem:$0x3FAD]  }
0x30: {  	s3 =	sld [smem:$0x3FB0]  }
0x31: {  	[smem:$0x3FB9] =	sst s10  }
0x32: {  	s10 =	sld [smem:$0x3FB7];
	_ =	sdelay $0x3  }
0x33: {  	p0 =	seq.s32 s10, $0x1;
	s10 =	sld [smem:$0x3FB9];
	_ =	sdelay $0x3  }
0x34: {  	[smem:$0x3FB9] =	sst s10  }
0x35: {  	s10 =	sld [smem:$0x3FB8];
	_ =	sdelay $0x3  }
0x36: {  	p1 =	seq.s32 s10, $0x1;
	s10 =	sld [smem:$0x3FB9];
	_ =	sdelay $0x3  }
0x37: {  	[smem:$0x3FB9] =	sst s10  }
0x38: {  	s10 =	sld [smem:$0x3FBA]  }
0x39: {  	_ = 	snop;
	(pc) =	sbr.ind lr, $3  }
0x3a: {  	_ = 	snop  }
0x3b: {  	_ = 	snop  }
0x3c: {  	p2 =	seq.s32 s10, $0x1;
	s10 =	sld [smem:$0x3FB9]  }
0x3d: {  	_ =	shalt  }
0x3e: {  	_ =	shalt  }
0x3f: {  	_ =	shalt  }
0x40: {  	_ =	shalt  }
0x41: {  	_ =	shalt  }
0x42: {  	_ =	shalt  }
0x43: {  	_ =	shalt  }
0x44: {  	_ =	shalt  }
0x45: {  	_ =	shalt  }
0x46: {  	_ =	shalt  }
0x47: {  	_ =	shalt  }
0x48: {  	_ =	shalt  }
0x49: {  	_ =	shalt  }
0x4a: {  	_ =	shalt  }
0x4b: {  	_ =	shalt  }
0x4c: {  	_ =	shalt  }
0x4d: {  	_ =	shalt  }
0x4e: {  	_ =	shalt  }
0x4f: {  	_ =	shalt  }
0x50: {  	_ =	shalt  }
0x51: {  	_ =	shalt  }
0x52: {  	_ =	shalt  }
0x53: {  	_ =	shalt  }
0x54: {  	_ =	shalt  }
0x55: {  	_ =	shalt  }
0x56: {  	_ =	shalt  }
0x57: {  	_ =	shalt  }
0x58: {  	_ =	shalt  }
0x59: {  	_ =	shalt  }
0x5a: {  	_ =	shalt  }
0x5b: {  	_ =	shalt  }
0x5c: {  	_ =	shalt  }
0x5d: {  	_ =	shalt  }
0x5e: {  	_ =	shalt  }
0x5f: {  	_ =	shalt  }
0x60: {  	_ =	shalt  }
0x61: {  	_ =	shalt  }
0x62: {  	_ =	shalt  }
0x63: {  	_ =	shalt  }
0x64: {  	_ =	shalt  }
0x65: {  	_ =	shalt  }
0x66: {  	_ =	shalt  }
0x67: {  	_ =	shalt  }
0x68: {  	_ =	shalt  }
0x69: {  	_ =	shalt  }
0x6a: {  	_ =	shalt  }
0x6b: {  	_ =	shalt  }
0x6c: {  	_ =	shalt  }
0x6d: {  	_ =	shalt  }
0x6e: {  	_ =	shalt  }
0x6f: {  	_ =	shalt  }
0x70: {  	_ =	shalt  }
0x71: {  	_ =	shalt  }
0x72: {  	_ =	shalt  }
0x73: {  	_ =	shalt  }
0x74: {  	_ =	shalt  }
0x75: {  	_ =	shalt  }
0x76: {  	_ =	shalt  }
0x77: {  	_ =	shalt  }
0x78: {  	_ =	shalt  }
0x79: {  	_ =	shalt  }
0x7a: {  	_ =	shalt  }
0x7b: {  	_ =	shalt  }
0x7c: {  	_ =	shalt  }
0x7d: {  	_ =	shalt  }
0x7e: {  	_ =	shalt  }
0x7f: {  	_ =	shalt  }
0x80: {  	_ =	shalt  }
0x81: {  	_ =	shalt  }
0x82: {  	_ =	shalt  }
0x83: {  	_ =	shalt  }
0x84: {  	_ =	shalt  }
0x85: {  	_ =	shalt  }
0x86: {  	_ =	shalt  }
0x87: {  	_ =	shalt  }
.Lfunc_end0:
.L_simem_size_0:
called_computation_lowered:
.L_overlay_start_0:
0x88: {  	s2 =	sld [smem:$0x3FD9]  }
0x89: {  	s3 =	sld [smem:$0x3FFE];
	_ =	sdelay $0x1  }
0x8a: {  	s1 =	srdreg.scid  }
0x8b: {  	s0 =	sand.u32 $0x1, s1  }
0x8c: {  	s17 =	sshll.u32 s0, $0xA;
	s2 =	sadd.s32 s3, s2  }
0x8d: {  	s2 =	sadd.s32 s2, s17  }
0x8e: {  	[smem:$0x3FC5] =	sst s2  }
0x8f: {  	_ = 	snop  }
0x90: {  	s2 =	sld [smem:$0x3FC9]  }
0x91: {  	s18 =	sld [smem:$0x3FC8]  }
0x92: {  	s4 =	sld [smem:$0x3FC7];
	(tm) =	ssettm $0x1  }
0x93: {  	s5 =	sld [smem:$0x3FFB];
	_ =	sdelay $0x3  }
0x94: {  	_ =	strace s5  }
0x95: {  	s5 =	sld [smem:$0x3FFC];
	_ =	sdelay $0x3  }
0x96: {  	_ =	strace s5  }
0x97: {  	s5 =	sld [smem:$0x3FFD];
	_ =	sdelay $0x3  }
0x98: {  	_ =	strace s5  }
0x99: {  	_ =	strace $0x8FFFFFFF  }
0x9a: {  	s19 =	sld [smem:$0x3FDB];
	_ =	sdelay $0x1  }
0x9b: {  	s6 =	simm.s32 $_scs_section_size  }
0x9c: {  	s7 =	simm.s32 $_size__tile_overlayer_lowered;
	s8 =	simm.s32 $_tile_overlayer_lowered  }
0x9d: {  	s22 =	simm.s32 $0x1BFF;
	s21 =	sshll.u32 s8, $0x1;
	s5 =	sadd.s32 s6, s19  }
0x9e: {  	s9 =	simm.s32 $0x0;
	s20 =	sshll.u32 s7, $0x1;
	s7 =	sadd.s32 s21, s5  }
0x9f: {  	[timem:s9], [sflag:s22] =	dma.local [hbm:s7], s20  }
0xa0: {  	_ =	swait.ge [sflag:s22], s20  }
0xa1: {  	s6 =	ssub.s32 $0x0, s20;
	[sflag:s22] =	ssyncset.done $0x0  }
0xa2: {  	[sflag:s22] =	ssyncadd.s32 s6;
	_ =	sdelay $0x1  }
0xa3: {  	s23 =	simm.s32 $0x1B8B  }
0xa4: {  	_ =	swait.ge [sflag:s23], $0x1  }
0xa5: {  	[sflag:s23] =	ssyncset.done $0x0  }
0xa6: {  	s25 =	simm.s32 $0x1B8E;
	s24 =	sld [smem:$0x3FFE];
	[sflag:s23] =	ssyncadd.s32 $0xFFFFFFFF  }
0xa7: {  	s26 =	simm.s32 $execute0_lowered;
	[smem:$0x3FD2] =	sst s25  }
0xa8: {  	s7 =	sshll.u32 s26, $0x1;
	_ =	strace $0x80000046;
	[dreg:$0x1] =	wrdreg $0xFFFFFFFF  }
0xa9: {  	s28 =	simm.s32 $_size_execute0_lowered;
	s5 =	sadd.s32 s5, s7;
	[dreg:$0x0] =	wrdreg $0x0  }
0xaa: {  	s7 =	sshll.u32 s28, $0x1;
	[dreg:$0x2] =	wrdreg s5  }
0xab: {  	[dreg:$0x3] =	wrdreg s7  }
0xac: {  	[dreg:$0x4] =	wrdreg $0xC0  }
0xad: {  	_ =	task [dreg:s9], $0x5FFFF  }
0xae: {  	[dreg:$0x1] =	wrdreg $0xFFFFFFFF  }
0xaf: {  	[dreg:$0x0] =	wrdreg $0x60  }
0xb0: {  	[dreg:$0x2] =	wrdreg s2  }
0xb1: {  	[dreg:$0x3] =	wrdreg s4  }
0xb2: {  	[dreg:$0x4] =	wrdreg s18  }
0xb3: {  	[dreg:$0x5] =	wrdreg s24  }
0xb4: {  	[dreg:$0x6] =	wrdreg $0x9  }
0xb5: {  	_ =	task.clear_ibuf [dreg:s9], $0x7FFFF;
	_ =	strace $0x90000046  }
0xb6: {  	s29 =	simm.s32 $0x9;
	_ =	strace $0x80000048  }
0xb7: {  	_ =	swait.ge [sflag:s29], $0x1  }
0xb8: {  	[sflag:s29] =	ssyncadd.s32 $0xFFFFFFFF  }
0xb9: {  	_ =	strace $0x90000048  }
0xba: {  	_ =	sfence  }
0xbb: {  	s30 =	sld [smem:$0x0];
	_ =	sdelay $0x2  }
0xbc: {  	s31 =	sshll.u32 s1, $0xD;
	s1 =	sshrl.u32 s1, $0x2  }
0xbd: {  	s3 =	sand.u32 $0x4000, s31;
	s1 =	sadd.s32 s1, s30  }
0xbe: {  	s0 =	sor.u32 s3, s0;
	s1 =	sshll.u32 s1, $0x11  }
0xbf: {  	s0 =	sor.u32 s1, s0  }
0xc0: {  	s0 =	sadd.s32 $0x8F2B, s0  }
0xc1: {  	[sflag:s0] =	ssyncadd.remote.s32 $0x1  }
0xc2: {  	_ =	sfence.sel $0xFFFF  }
0xc3: {  	[dreg:$0x0] =	wrdreg $0xFFFFFFFF;
	(pc) =	sbr.abs _section_cstart, $3  }
0xc4: {  	[dreg:$0x1] =	wrdreg $0xFFFFFFFF  }
0xc5: {  	_ =	task.clear_ibuf [dreg:s9], $0x2FFFF;
	_ =	strace $0x9FFFFFFF  }
0xc6: {  	(tm) =	ssettm $0x7FFFFFFF  }
0xc7: {  	_ =	shalt  }
tec
execute0_lowered:
.L_overlay_start_1:
0x0: {  	(tag) =	ssettag $0x1  }
0x1: {  	s0 =	rddreg [dreg:$0x0];
	s1 =	srdreg.scid  }
0x2: {  	s3 =	stileid.u32;
	s2 =	rddreg [dreg:$0x2]  }
0x3: {  	s10 =	rddreg [dreg:$0x3];
	s13 =	simm.s32 $0x5;
	s15 =	simm.s32 $0x200  }
0x4: {  	s16 =	simm.s32 $0x400;
	s17 =	simm.s32 $0x180;
	s18 =	simm.s32 $0x4180  }
0x5: {  	s19 =	simm.s32 $0x1;
	s20 =	simm.s32 $0x100;
	s21 =	simm.s32 $0x8180  }
0x6: {  	s22 =	simm.s32 $0x2;
	s23 =	simm.s32 $0xC180;
	s24 =	simm.s32 $0x3  }
0x7: {  	s25 =	simm.s32 $0x4;
	s1 =	sand.u32 $0x1, s1;
	s3 =	sshll.u32 s3, $0x1  }
0x8: {  	s26 =	simm.s32 $0x0;
	s5 =	sor.u32 s1, s3;
	s3 =	simm.s32 $0x0  }
0x9: {  	s1 =	ssub.s32 $0x2, s1;
	s4 =	smul.u32 $0x30, s5;
	[smem:$0x7FF] =	sst s3  }
0xa: {  	s6 =	smul.u32 $0x30000, s5;
	s5 =	sadd.s32 $0x800, s10;
	s7 =	sshrl.u32 s1, $0x1  }
.Ltmp0:
0xb: {  	s10 =	sadd.s32 $0x840, s10;
	_ =	strace $0x80000047;
	(pc) =	sbr.rel .LBB2_1-.Ltmp0, $4  }
0xc: {  	s1 =	ssub.s32 s1, s7;
	s31 =	sadd.s32 $0xA00, s4;
	s6 =	sshrl.u32 s6, $0x3  }
0xd: {  	s11 =	smax.u32 s1, $0x1;
	s8 =	sshrl.u32 s31, $0x3;
	s7 =	sshll.u32 s31, $0x9  }
0xe: {  	s9 =	sadd.s32 s2, s6;
	s6 =	sadd.s32 s0, s8;
	s7 =	sadd.s32 s2, s7  }
0xf: {  	s8 =	sadd.s32 $0x140040, s9;
	s9 =	sadd.s32 $0x1000, s7;
	s12 =	sadd.s32 $0x1040, s7  }
.LBB2_20:
0x10: {  	s26 =	sadd.s32 $0x1, s26  }
0x11: {  	_ =	swait.ge [sflag:s24], $0x4000;
	p0 =	sne.s32 s26, s11  }
.Ltmp1:
0x12: {  	[sflag:s24] =	ssyncset.done $0x0;
	(pc) =	sbr.rel @!p0 .LBB2_21-.Ltmp1, $4  }
0x13: {  	[sflag:s24] =	ssyncadd.s32 $0xFFFFC000  }
0x14: {  	_ =	swait.ge [sflag:s25], $0x4000  }
0x15: {  	[sflag:s25] =	ssyncset.done $0x0  }
0x16: {  	[sflag:s25] =	ssyncadd.s32 $0xFFFFC000  }
.LBB2_1:
0x17: {  	s0 =	rddreg [dreg:$0x1]  }
0x18: {  	[tilespmem:s3], [sflag:$0x5] =	stream.linear.gather [hbm4b:s0+s3], $0x80, $0x38;
	[tilespmem:$0x10180] =	vst v63  }
0x19: {  	_ =	swait.ge [sflag:s13], $0x80  }
0x1a: {  	[sflag:s13] =	ssyncset.done $0x0  }
0x1b: {  	s31 =	simm.s32 $0x80;
	[sflag:s13] =	ssyncadd.s32 $0xFFFFFF80  }
0x1c: {  	[tilespmem:s31], [sflag:$0x5] =	stream.linear.gather [hbm4b:s6+s3], $0x30, $0x38;
	[tilespmem:$0x10180] =	vst v63  }
0x1d: {  	_ =	swait.ge [sflag:s13], $0x30  }
0x1e: {  	[sflag:s13] =	ssyncset.done $0x0  }
0x1f: {  	[sflag:s13] =	ssyncadd.s32 $0xFFFFFFD0  }
0x20: {  	v0 =	vld [tilespmem:$0x80];
	_ =	sdelay $0x4  }
0x21: {  	vm0 =	vlt.s32 v0, $0x3F  }
0x22: {  	v1 =	vld [tilespmem:$0x90];
	v0 =	vnsel vm0, $0x3F, v0;
	_ =	sdelay $0x4  }
0x23: {  	vm14 =	vlt.s32 v1, $0x3F;
	v0 =	vld.idx.msk [tilespmem:v0+s3+$0x0], $0xffff  }
0x24: {  	v2 =	vld [tilespmem:$0xA0];
	v1 =	vnsel vm14, $0x3F, v1;
	_ =	sdelay $0x3  }
0x25: {  	[tilespmem:$0x100] =	vst v0  }
0x26: {  	vm15 =	vlt.s32 v2, $0x3F;
	v0 =	vld.idx.msk [tilespmem:v1+s3+$0x0], $0xffff  }
0x27: {  	v63 =	vnsel vm15, $0x3F, v2;
	_ =	sdelay $0x3  }
0x28: {  	[tilespmem:$0x110] =	vst v0  }
0x29: {  	v0 =	vld.idx.msk [tilespmem:v63+s3+$0x0], $0xffff;
	_ =	sdelay $0x4  }
0x2a: {  	[tilespmem:$0x120] =	vst v0  }
0x2b: {  	[tilespmem:s17], [sflag:$0x1] =	stream.strided.gather [hbm4b:s7+s15], $0x4000, s16, s15, $0x38;
	[tilespmem:$0x10180] =	vst v63  }
0x2c: {  	s28 =	simm.s32 $0x0  }
0x2d: {  	[tilespmem:s18], [sflag:$0x2] =	stream.strided.gather [hbm4b:s8+s15], $0x4000, s16, s15, $0x38;
	[tilespmem:$0x10180] =	vst v63  }
.LBB2_2:
0x2e: {  	s30 =	sshll.u32 s28, $0x3  }
0x2f: {  	v0 =	vmov s30  }
0x30: {  	_ =	swait.ge [sflag:s19], $0x4000;
	v0 =	vand.u32 $0xFFFFFFF8, v0  }
0x31: {  	p0 =	seq.s32 s28, $0x0;
	[sflag:s19] =	ssyncset.done $0x0;
	v0 =	vbroadcast v0, $0x0  }
0x32: {  	s0 =	simm.s32 @!p0 $0x3;
	[sflag:s19] =	ssyncadd.s32 $0xFFFFC000  }
0x33: {  	_ =	swait.ge @!p0 [sflag:s0], $0x4000  }
0x34: {  	[sflag:s0] =	ssyncset.done @!p0 $0x0  }
0x35: {  	s2 =	simm.s32 $0x0;
	[sflag:s0] =	ssyncadd.s32 @!p0 $0xFFFFC000  }
0x36: {  	v2 =	vld [tilespmem:s2+$0x1F0]  }
0x37: {  	v0 =	vld.idx.msk [tilespmem:v0+s20+$0x0], $0xffff  }
0x38: {  	v6 =	vld [tilespmem:s2+$0x180]  }
0x39: {  	v7 =	vld [tilespmem:s2+$0x190]  }
0x3a: {  	v5 =	vld [tilespmem:s2+$0x1A0]  }
0x3b: {  	v4 =	vld [tilespmem:s2+$0x1B0]  }
0x3c: {  	v1 =	vld [tilespmem:s2+$0x1C0];
	v8 =	vmul.f32 v2, v0  }
0x3d: {  	v2 =	vld [tilespmem:s2+$0x1D0];
	v6 =	vmul.f32 v6, v0  }
0x3e: {  	s29 =	sshll.u32 s28, $0xC;
	s31 =	simm.s32 $0x200;
	s0 =	simm.s32 $0x1000;
	v3 =	vld [tilespmem:s2+$0x1E0];
	v7 =	vmul.f32 v7, v0;
	[tilespmem:s2+$0x81F0] =	vst v8  }
.LBB2_3:
0x3f: {  	p1 =	sne.s32 s0, $0xF800;
	v8 =	vld [tilespmem:s31+$0x1F0];
	[tilespmem:s2+$0x8180] =	vst v6;
	v5 =	vmul.f32 v5, v0  }
0x40: {  	v6 =	vld [tilespmem:s31+$0x180];
	[tilespmem:s2+$0x8190] =	vst v7;
	v4 =	vmul.f32 v4, v0  }
0x41: {  	v7 =	vld [tilespmem:s31+$0x190];
	[tilespmem:s2+$0x81A0] =	vst v5;
	v1 =	vmul.f32 v1, v0  }
.Ltmp2:
0x42: {  	v5 =	vld [tilespmem:s31+$0x1A0];
	[tilespmem:s2+$0x81B0] =	vst v4;
	v2 =	vmul.f32 v2, v0;
	(pc) =	sbr.rel @p1 .LBB2_3-.Ltmp2, $4  }
0x43: {  	v4 =	vld [tilespmem:s31+$0x1B0];
	[tilespmem:s2+$0x81C0] =	vst v1;
	v3 =	vmul.f32 v3, v0  }
0x44: {  	v1 =	vld [tilespmem:s31+$0x1C0];
	v8 =	vmul.f32 v8, v0;
	[tilespmem:s2+$0x81D0] =	vst v2  }
0x45: {  	v6 =	vmul.f32 v6, v0;
	v2 =	vld [tilespmem:s31+$0x1D0];
	[tilespmem:s2+$0x81E0] =	vst v3;
	s2 =	smov.u32 s31  }
0x46: {  	s31 =	sshra.s32 s0, $0x2;
	s0 =	sadd.s32 $0x800, s0;
	v7 =	vmul.f32 v7, v0;
	v3 =	vld [tilespmem:s2+$0x1E0];
	[tilespmem:s2+$0x81F0] =	vst v8  }
0x47: {  	v8 =	vld [tilespmem:s31+$0x1F0];
	[tilespmem:s2+$0x8180] =	vst v6;
	v5 =	vmul.f32 v5, v0  }
0x48: {  	v6 =	vld [tilespmem:s31+$0x180];
	[tilespmem:s2+$0x8190] =	vst v7;
	v4 =	vmul.f32 v4, v0  }
0x49: {  	v7 =	vld [tilespmem:s31+$0x190];
	[tilespmem:s2+$0x81A0] =	vst v5;
	v1 =	vmul.f32 v1, v0  }
0x4a: {  	v5 =	vld [tilespmem:s31+$0x1A0];
	[tilespmem:s2+$0x81B0] =	vst v4;
	v2 =	vmul.f32 v2, v0  }
0x4b: {  	v4 =	vld [tilespmem:s31+$0x1B0];
	[tilespmem:s2+$0x81C0] =	vst v1;
	v3 =	vmul.f32 v3, v0  }
0x4c: {  	v1 =	vld [tilespmem:s31+$0x1C0];
	[tilespmem:s2+$0x81D0] =	vst v2;
	v8 =	vmul.f32 v8, v0  }
0x4d: {  	s0 =	sor.u32 $0x1, s30;
	v2 =	vld [tilespmem:s31+$0x1D0];
	[tilespmem:s2+$0x81E0] =	vst v3;
	v3 =	vmul.f32 v6, v0  }
0x4e: {  	v6 =	vld [tilespmem:s31+$0x1E0];
	v7 =	vmul.f32 v7, v0;
	[tilespmem:s31+$0x81F0] =	vst v8;
	v8 =	vmov s0  }
0x4f: {  	[tilespmem:s31+$0x8180] =	vst v3;
	v3 =	vmul.f32 v5, v0;
	v5 =	vand.u32 $0xFFFFFFF9, v8  }
0x50: {  	[tilespmem:s31+$0x8190] =	vst v7;
	v4 =	vmul.f32 v4, v0;
	v5 =	vbroadcast v5, $0x0  }
0x51: {  	[tilespmem:s31+$0x81A0] =	vst v3;
	v1 =	vmul.f32 v1, v0  }
0x52: {  	[tilespmem:s31+$0x81B0] =	vst v4;
	v2 =	vmul.f32 v2, v0  }
0x53: {  	[tilespmem:s31+$0x81C0] =	vst v1;
	v0 =	vmul.f32 v6, v0  }
0x54: {  	[tilespmem:s31+$0x81D0] =	vst v2  }
0x55: {  	[tilespmem:s31+$0x81E0] =	vst v0  }
0x56: {  	s2 =	simm.s32 $0x0;
	v0 =	vld.idx.msk [tilespmem:v5+s20+$0x0], $0xffff  }
0x57: {  	v2 =	vld [tilespmem:s2+$0x270]  }
0x58: {  	v6 =	vld [tilespmem:s2+$0x200]  }
0x59: {  	v7 =	vld [tilespmem:s2+$0x210]  }
0x5a: {  	v5 =	vld [tilespmem:s2+$0x220]  }
0x5b: {  	v4 =	vld [tilespmem:s2+$0x230]  }
0x5c: {  	v1 =	vld [tilespmem:s2+$0x240];
	v8 =	vmul.f32 v2, v0  }
0x5d: {  	v2 =	vld [tilespmem:s2+$0x250];
	v6 =	vmul.f32 v6, v0  }
0x5e: {  	s0 =	simm.s32 $0x1000;
	s31 =	simm.s32 $0x200;
	v3 =	vld [tilespmem:s2+$0x260];
	v7 =	vmul.f32 v7, v0;
	[tilespmem:s2+$0x8270] =	vst v8  }
.LBB2_5:
0x5f: {  	p1 =	sne.s32 s0, $0xF800;
	v8 =	vld [tilespmem:s31+$0x270];
	[tilespmem:s2+$0x8200] =	vst v6;
	v5 =	vmul.f32 v5, v0  }
0x60: {  	v6 =	vld [tilespmem:s31+$0x200];
	[tilespmem:s2+$0x8210] =	vst v7;
	v4 =	vmul.f32 v4, v0  }
0x61: {  	v7 =	vld [tilespmem:s31+$0x210];
	[tilespmem:s2+$0x8220] =	vst v5;
	v1 =	vmul.f32 v1, v0  }
.Ltmp3:
0x62: {  	v5 =	vld [tilespmem:s31+$0x220];
	[tilespmem:s2+$0x8230] =	vst v4;
	v2 =	vmul.f32 v2, v0;
	(pc) =	sbr.rel @p1 .LBB2_5-.Ltmp3, $4  }
0x63: {  	v4 =	vld [tilespmem:s31+$0x230];
	[tilespmem:s2+$0x8240] =	vst v1;
	v3 =	vmul.f32 v3, v0  }
0x64: {  	v1 =	vld [tilespmem:s31+$0x240];
	v8 =	vmul.f32 v8, v0;
	[tilespmem:s2+$0x8250] =	vst v2  }
0x65: {  	v6 =	vmul.f32 v6, v0;
	v2 =	vld [tilespmem:s31+$0x250];
	[tilespmem:s2+$0x8260] =	vst v3;
	s2 =	smov.u32 s31  }
0x66: {  	s31 =	sshra.s32 s0, $0x2;
	s0 =	sadd.s32 $0x800, s0;
	v7 =	vmul.f32 v7, v0;
	v3 =	vld [tilespmem:s2+$0x260];
	[tilespmem:s2+$0x8270] =	vst v8  }
0x67: {  	v8 =	vld [tilespmem:s31+$0x270];
	[tilespmem:s2+$0x8200] =	vst v6;
	v5 =	vmul.f32 v5, v0  }
0x68: {  	v6 =	vld [tilespmem:s31+$0x200];
	[tilespmem:s2+$0x8210] =	vst v7;
	v4 =	vmul.f32 v4, v0  }
0x69: {  	v7 =	vld [tilespmem:s31+$0x210];
	[tilespmem:s2+$0x8220] =	vst v5;
	v1 =	vmul.f32 v1, v0  }
0x6a: {  	v5 =	vld [tilespmem:s31+$0x220];
	[tilespmem:s2+$0x8230] =	vst v4;
	v2 =	vmul.f32 v2, v0  }
0x6b: {  	v4 =	vld [tilespmem:s31+$0x230];
	[tilespmem:s2+$0x8240] =	vst v1;
	v3 =	vmul.f32 v3, v0  }
0x6c: {  	v1 =	vld [tilespmem:s31+$0x240];
	[tilespmem:s2+$0x8250] =	vst v2;
	v8 =	vmul.f32 v8, v0  }
0x6d: {  	s0 =	sor.u32 $0x2, s30;
	v2 =	vld [tilespmem:s31+$0x250];
	[tilespmem:s2+$0x8260] =	vst v3;
	v3 =	vmul.f32 v6, v0  }
0x6e: {  	v6 =	vld [tilespmem:s31+$0x260];
	v7 =	vmul.f32 v7, v0;
	[tilespmem:s31+$0x8270] =	vst v8;
	v8 =	vmov s0  }
0x6f: {  	[tilespmem:s31+$0x8200] =	vst v3;
	v3 =	vmul.f32 v5, v0;
	v5 =	vand.u32 $0xFFFFFFFA, v8  }
0x70: {  	[tilespmem:s31+$0x8210] =	vst v7;
	v4 =	vmul.f32 v4, v0;
	v5 =	vbroadcast v5, $0x0  }
0x71: {  	[tilespmem:s31+$0x8220] =	vst v3;
	v1 =	vmul.f32 v1, v0  }
0x72: {  	[tilespmem:s31+$0x8230] =	vst v4;
	v2 =	vmul.f32 v2, v0  }
0x73: {  	[tilespmem:s31+$0x8240] =	vst v1;
	v0 =	vmul.f32 v6, v0  }
0x74: {  	[tilespmem:s31+$0x8250] =	vst v2  }
0x75: {  	[tilespmem:s31+$0x8260] =	vst v0  }
0x76: {  	s2 =	simm.s32 $0x0;
	v0 =	vld.idx.msk [tilespmem:v5+s20+$0x0], $0xffff  }
0x77: {  	v2 =	vld [tilespmem:s2+$0x2F0]  }
0x78: {  	v6 =	vld [tilespmem:s2+$0x280]  }
0x79: {  	v7 =	vld [tilespmem:s2+$0x290]  }
0x7a: {  	v5 =	vld [tilespmem:s2+$0x2A0]  }
0x7b: {  	v4 =	vld [tilespmem:s2+$0x2B0]  }
0x7c: {  	v1 =	vld [tilespmem:s2+$0x2C0];
	v8 =	vmul.f32 v2, v0  }
0x7d: {  	v2 =	vld [tilespmem:s2+$0x2D0];
	v6 =	vmul.f32 v6, v0  }
0x7e: {  	s0 =	simm.s32 $0x1000;
	s31 =	simm.s32 $0x200;
	v3 =	vld [tilespmem:s2+$0x2E0];
	v7 =	vmul.f32 v7, v0;
	[tilespmem:s2+$0x82F0] =	vst v8  }
.LBB2_7:
0x7f: {  	p1 =	sne.s32 s0, $0xF800;
	v8 =	vld [tilespmem:s31+$0x2F0];
	[tilespmem:s2+$0x8280] =	vst v6;
	v5 =	vmul.f32 v5, v0  }
0x80: {  	v6 =	vld [tilespmem:s31+$0x280];
	[tilespmem:s2+$0x8290] =	vst v7;
	v4 =	vmul.f32 v4, v0  }
0x81: {  	v7 =	vld [tilespmem:s31+$0x290];
	[tilespmem:s2+$0x82A0] =	vst v5;
	v1 =	vmul.f32 v1, v0  }
.Ltmp4:
0x82: {  	v5 =	vld [tilespmem:s31+$0x2A0];
	[tilespmem:s2+$0x82B0] =	vst v4;
	v2 =	vmul.f32 v2, v0;
	(pc) =	sbr.rel @p1 .LBB2_7-.Ltmp4, $4  }
0x83: {  	v4 =	vld [tilespmem:s31+$0x2B0];
	[tilespmem:s2+$0x82C0] =	vst v1;
	v3 =	vmul.f32 v3, v0  }
0x84: {  	v1 =	vld [tilespmem:s31+$0x2C0];
	v8 =	vmul.f32 v8, v0;
	[tilespmem:s2+$0x82D0] =	vst v2  }
0x85: {  	v6 =	vmul.f32 v6, v0;
	v2 =	vld [tilespmem:s31+$0x2D0];
	[tilespmem:s2+$0x82E0] =	vst v3;
	s2 =	smov.u32 s31  }
0x86: {  	s31 =	sshra.s32 s0, $0x2;
	s0 =	sadd.s32 $0x800, s0;
	v7 =	vmul.f32 v7, v0;
	v3 =	vld [tilespmem:s2+$0x2E0];
	[tilespmem:s2+$0x82F0] =	vst v8  }
0x87: {  	v8 =	vld [tilespmem:s31+$0x2F0];
	[tilespmem:s2+$0x8280] =	vst v6;
	v5 =	vmul.f32 v5, v0  }
0x88: {  	v6 =	vld [tilespmem:s31+$0x280];
	[tilespmem:s2+$0x8290] =	vst v7;
	v4 =	vmul.f32 v4, v0  }
0x89: {  	v7 =	vld [tilespmem:s31+$0x290];
	[tilespmem:s2+$0x82A0] =	vst v5;
	v1 =	vmul.f32 v1, v0  }
0x8a: {  	v5 =	vld [tilespmem:s31+$0x2A0];
	[tilespmem:s2+$0x82B0] =	vst v4;
	v2 =	vmul.f32 v2, v0  }
0x8b: {  	v4 =	vld [tilespmem:s31+$0x2B0];
	[tilespmem:s2+$0x82C0] =	vst v1;
	v3 =	vmul.f32 v3, v0  }
0x8c: {  	v1 =	vld [tilespmem:s31+$0x2C0];
	[tilespmem:s2+$0x82D0] =	vst v2;
	v8 =	vmul.f32 v8, v0  }
0x8d: {  	s0 =	sor.u32 $0x3, s30;
	v2 =	vld [tilespmem:s31+$0x2D0];
	[tilespmem:s2+$0x82E0] =	vst v3;
	v3 =	vmul.f32 v6, v0  }
0x8e: {  	v6 =	vld [tilespmem:s31+$0x2E0];
	v7 =	vmul.f32 v7, v0;
	[tilespmem:s31+$0x82F0] =	vst v8;
	v8 =	vmov s0  }
0x8f: {  	[tilespmem:s31+$0x8280] =	vst v3;
	v3 =	vmul.f32 v5, v0;
	v5 =	vand.u32 $0xFFFFFFFB, v8  }
0x90: {  	[tilespmem:s31+$0x8290] =	vst v7;
	v4 =	vmul.f32 v4, v0;
	v5 =	vbroadcast v5, $0x0  }
0x91: {  	[tilespmem:s31+$0x82A0] =	vst v3;
	v1 =	vmul.f32 v1, v0  }
0x92: {  	[tilespmem:s31+$0x82B0] =	vst v4;
	v2 =	vmul.f32 v2, v0  }
0x93: {  	[tilespmem:s31+$0x82C0] =	vst v1;
	v0 =	vmul.f32 v6, v0  }
0x94: {  	[tilespmem:s31+$0x82D0] =	vst v2  }
0x95: {  	[tilespmem:s31+$0x82E0] =	vst v0  }
0x96: {  	s31 =	simm.s32 $0x0;
	v0 =	vld.idx.msk [tilespmem:v5+s20+$0x0], $0xffff  }
0x97: {  	v2 =	vld [tilespmem:s31+$0x370]  }
0x98: {  	v6 =	vld [tilespmem:s31+$0x300]  }
0x99: {  	v7 =	vld [tilespmem:s31+$0x310]  }
0x9a: {  	v5 =	vld [tilespmem:s31+$0x320]  }
0x9b: {  	v4 =	vld [tilespmem:s31+$0x330]  }
0x9c: {  	v1 =	vld [tilespmem:s31+$0x340];
	v8 =	vmul.f32 v2, v0  }
0x9d: {  	v2 =	vld [tilespmem:s31+$0x350];
	v6 =	vmul.f32 v6, v0  }
0x9e: {  	s2 =	simm.s32 $0x200;
	s0 =	simm.s32 $0x1000;
	v3 =	vld [tilespmem:s31+$0x360];
	v7 =	vmul.f32 v7, v0;
	[tilespmem:s31+$0x8370] =	vst v8  }
.LBB2_9:
0x9f: {  	p1 =	sne.s32 s0, $0xF800;
	v8 =	vld [tilespmem:s2+$0x370];
	[tilespmem:s31+$0x8300] =	vst v6;
	v5 =	vmul.f32 v5, v0  }
0xa0: {  	v6 =	vld [tilespmem:s2+$0x300];
	[tilespmem:s31+$0x8310] =	vst v7;
	v4 =	vmul.f32 v4, v0  }
0xa1: {  	v7 =	vld [tilespmem:s2+$0x310];
	[tilespmem:s31+$0x8320] =	vst v5;
	v1 =	vmul.f32 v1, v0  }
.Ltmp5:
0xa2: {  	v5 =	vld [tilespmem:s2+$0x320];
	[tilespmem:s31+$0x8330] =	vst v4;
	v2 =	vmul.f32 v2, v0;
	(pc) =	sbr.rel @p1 .LBB2_9-.Ltmp5, $4  }
0xa3: {  	v4 =	vld [tilespmem:s2+$0x330];
	[tilespmem:s31+$0x8340] =	vst v1;
	v3 =	vmul.f32 v3, v0  }
0xa4: {  	v1 =	vld [tilespmem:s2+$0x340];
	v8 =	vmul.f32 v8, v0;
	[tilespmem:s31+$0x8350] =	vst v2  }
0xa5: {  	v6 =	vmul.f32 v6, v0;
	v2 =	vld [tilespmem:s2+$0x350];
	[tilespmem:s31+$0x8360] =	vst v3;
	s31 =	smov.u32 s2  }
0xa6: {  	s2 =	sshra.s32 s0, $0x2;
	s0 =	sadd.s32 $0x800, s0;
	v7 =	vmul.f32 v7, v0;
	v3 =	vld [tilespmem:s31+$0x360];
	[tilespmem:s31+$0x8370] =	vst v8  }
0xa7: {  	v8 =	vld [tilespmem:s2+$0x370];
	[tilespmem:s31+$0x8300] =	vst v6;
	v5 =	vmul.f32 v5, v0  }
0xa8: {  	v6 =	vld [tilespmem:s2+$0x300];
	[tilespmem:s31+$0x8310] =	vst v7;
	v4 =	vmul.f32 v4, v0  }
0xa9: {  	v7 =	vld [tilespmem:s2+$0x310];
	[tilespmem:s31+$0x8320] =	vst v5;
	v1 =	vmul.f32 v1, v0  }
0xaa: {  	v5 =	vld [tilespmem:s2+$0x320];
	[tilespmem:s31+$0x8330] =	vst v4;
	v2 =	vmul.f32 v2, v0  }
0xab: {  	v4 =	vld [tilespmem:s2+$0x330];
	[tilespmem:s31+$0x8340] =	vst v1;
	v3 =	vmul.f32 v3, v0  }
0xac: {  	v1 =	vld [tilespmem:s2+$0x340];
	[tilespmem:s31+$0x8350] =	vst v2;
	v8 =	vmul.f32 v8, v0  }
0xad: {  	v2 =	vld [tilespmem:s2+$0x350];
	[tilespmem:s31+$0x8360] =	vst v3;
	v3 =	vmul.f32 v6, v0  }
0xae: {  	v6 =	vld [tilespmem:s2+$0x360];
	v7 =	vmul.f32 v7, v0;
	[tilespmem:s2+$0x8370] =	vst v8  }
0xaf: {  	[tilespmem:s2+$0x8300] =	vst v3;
	v3 =	vmul.f32 v5, v0  }
0xb0: {  	[tilespmem:s2+$0x8310] =	vst v7;
	v4 =	vmul.f32 v4, v0  }
0xb1: {  	[tilespmem:s2+$0x8320] =	vst v3;
	v1 =	vmul.f32 v1, v0  }
0xb2: {  	[tilespmem:s2+$0x8330] =	vst v4;
	v2 =	vmul.f32 v2, v0  }
0xb3: {  	s0 =	sadd.s32 s4, s30;
	[tilespmem:s2+$0x8340] =	vst v1;
	v0 =	vmul.f32 v6, v0  }
0xb4: {  	p1 =	seq.s32 s28, $0x5;
	s31 =	sshll.u32 s0, $0x9;
	[tilespmem:s2+$0x8350] =	vst v2  }
0xb5: {  	s1 =	sor.u32 $0x4, s30;
	s14 =	simm.s32 @!p1 $0x400;
	s0 =	sadd.s32 s5, s31;
	[tilespmem:s2+$0x8360] =	vst v0  }
0xb6: {  	[hbm4b:s0+s15] =	stream.strided.scatter [tilespmem:s21], [sflag:$0x3], $0x4000, s16, s15, $0x38;
	[tilespmem:$0x10180] =	vst v63  }
0xb7: {  	s2 =	simm.s32 @!p1 $0x200;
	v0 =	vmov s1;
	s1 =	simm.s32 @!p1 $0x180;
	s0 =	sadd.s32 @!p1 s29, s9  }
0xb8: {  	v0 =	vand.u32 $0xFFFFFFFC, v0;
	[tilespmem:s1], [sflag:$0x1] =	stream.strided.gather @!p1 [hbm4b:s0+s2], $0x4000, s14, s2, $0x38;
	[tilespmem:$0x10180] =	vst v63  }
0xb9: {  	v0 =	vbroadcast v0, $0x0;
	_ =	swait.ge [sflag:s22], $0x4000  }
0xba: {  	[sflag:s22] =	ssyncset.done $0x0  }
0xbb: {  	s0 =	simm.s32 @!p0 $0x4;
	[sflag:s22] =	ssyncadd.s32 $0xFFFFC000  }
0xbc: {  	_ =	swait.ge @!p0 [sflag:s0], $0x4000  }
0xbd: {  	[sflag:s0] =	ssyncset.done @!p0 $0x0  }
0xbe: {  	[sflag:s0] =	ssyncadd.s32 @!p0 $0xFFFFC000  }
0xbf: {  	s0 =	simm.s32 $0x0;
	v0 =	vld.idx.msk [tilespmem:v0+s20+$0x0], $0xffff  }
0xc0: {  	v2 =	vld [tilespmem:s0+$0x41F0]  }
0xc1: {  	v6 =	vld [tilespmem:s0+$0x4180]  }
0xc2: {  	v7 =	vld [tilespmem:s0+$0x4190]  }
0xc3: {  	v5 =	vld [tilespmem:s0+$0x41A0]  }
0xc4: {  	v4 =	vld [tilespmem:s0+$0x41B0]  }
0xc5: {  	v1 =	vld [tilespmem:s0+$0x41C0];
	v8 =	vmul.f32 v2, v0  }
0xc6: {  	v2 =	vld [tilespmem:s0+$0x41D0];
	v6 =	vmul.f32 v6, v0  }
0xc7: {  	s2 =	simm.s32 $0x200;
	s1 =	simm.s32 $0x1000;
	v3 =	vld [tilespmem:s0+$0x41E0];
	v7 =	vmul.f32 v7, v0;
	[tilespmem:s0+$0xC1F0] =	vst v8  }
.LBB2_11:
0xc8: {  	p0 =	sne.s32 s1, $0xF800;
	v8 =	vld [tilespmem:s2+$0x41F0];
	[tilespmem:s0+$0xC180] =	vst v6;
	v5 =	vmul.f32 v5, v0  }
0xc9: {  	v6 =	vld [tilespmem:s2+$0x4180];
	[tilespmem:s0+$0xC190] =	vst v7;
	v4 =	vmul.f32 v4, v0  }
0xca: {  	v7 =	vld [tilespmem:s2+$0x4190];
	[tilespmem:s0+$0xC1A0] =	vst v5;
	v1 =	vmul.f32 v1, v0  }
.Ltmp6:
0xcb: {  	v5 =	vld [tilespmem:s2+$0x41A0];
	[tilespmem:s0+$0xC1B0] =	vst v4;
	v2 =	vmul.f32 v2, v0;
	(pc) =	sbr.rel @p0 .LBB2_11-.Ltmp6, $4  }
0xcc: {  	v4 =	vld [tilespmem:s2+$0x41B0];
	[tilespmem:s0+$0xC1C0] =	vst v1;
	v3 =	vmul.f32 v3, v0  }
0xcd: {  	v1 =	vld [tilespmem:s2+$0x41C0];
	v8 =	vmul.f32 v8, v0;
	[tilespmem:s0+$0xC1D0] =	vst v2  }
0xce: {  	v6 =	vmul.f32 v6, v0;
	v2 =	vld [tilespmem:s2+$0x41D0];
	[tilespmem:s0+$0xC1E0] =	vst v3;
	s0 =	smov.u32 s2  }
0xcf: {  	s2 =	sshra.s32 s1, $0x2;
	s1 =	sadd.s32 $0x800, s1;
	v7 =	vmul.f32 v7, v0;
	v3 =	vld [tilespmem:s0+$0x41E0];
	[tilespmem:s0+$0xC1F0] =	vst v8  }
0xd0: {  	v8 =	vld [tilespmem:s2+$0x41F0];
	[tilespmem:s0+$0xC180] =	vst v6;
	v5 =	vmul.f32 v5, v0  }
0xd1: {  	v6 =	vld [tilespmem:s2+$0x4180];
	[tilespmem:s0+$0xC190] =	vst v7;
	v4 =	vmul.f32 v4, v0  }
0xd2: {  	v7 =	vld [tilespmem:s2+$0x4190];
	[tilespmem:s0+$0xC1A0] =	vst v5;
	v1 =	vmul.f32 v1, v0  }
0xd3: {  	v5 =	vld [tilespmem:s2+$0x41A0];
	[tilespmem:s0+$0xC1B0] =	vst v4;
	v2 =	vmul.f32 v2, v0  }
0xd4: {  	v4 =	vld [tilespmem:s2+$0x41B0];
	[tilespmem:s0+$0xC1C0] =	vst v1;
	v3 =	vmul.f32 v3, v0  }
0xd5: {  	v1 =	vld [tilespmem:s2+$0x41C0];
	[tilespmem:s0+$0xC1D0] =	vst v2;
	v8 =	vmul.f32 v8, v0  }
0xd6: {  	s14 =	sor.u32 $0x5, s30;
	v2 =	vld [tilespmem:s2+$0x41D0];
	[tilespmem:s0+$0xC1E0] =	vst v3;
	v3 =	vmul.f32 v6, v0  }
0xd7: {  	v6 =	vld [tilespmem:s2+$0x41E0];
	v7 =	vmul.f32 v7, v0;
	[tilespmem:s2+$0xC1F0] =	vst v8;
	v8 =	vmov s14  }
0xd8: {  	[tilespmem:s2+$0xC180] =	vst v3;
	v3 =	vmul.f32 v5, v0;
	v5 =	vand.u32 $0xFFFFFFFD, v8  }
0xd9: {  	[tilespmem:s2+$0xC190] =	vst v7;
	v4 =	vmul.f32 v4, v0;
	v5 =	vbroadcast v5, $0x0  }
0xda: {  	[tilespmem:s2+$0xC1A0] =	vst v3;
	v1 =	vmul.f32 v1, v0  }
0xdb: {  	[tilespmem:s2+$0xC1B0] =	vst v4;
	v2 =	vmul.f32 v2, v0  }
0xdc: {  	[tilespmem:s2+$0xC1C0] =	vst v1;
	v0 =	vmul.f32 v6, v0  }
0xdd: {  	[tilespmem:s2+$0xC1D0] =	vst v2  }
0xde: {  	[tilespmem:s2+$0xC1E0] =	vst v0  }
0xdf: {  	s0 =	simm.s32 $0x0;
	v0 =	vld.idx.msk [tilespmem:v5+s20+$0x0], $0xffff  }
0xe0: {  	v2 =	vld [tilespmem:s0+$0x4270]  }
0xe1: {  	v6 =	vld [tilespmem:s0+$0x4200]  }
0xe2: {  	v7 =	vld [tilespmem:s0+$0x4210]  }
0xe3: {  	v5 =	vld [tilespmem:s0+$0x4220]  }
0xe4: {  	v4 =	vld [tilespmem:s0+$0x4230]  }
0xe5: {  	v1 =	vld [tilespmem:s0+$0x4240];
	v8 =	vmul.f32 v2, v0  }
0xe6: {  	v2 =	vld [tilespmem:s0+$0x4250];
	v6 =	vmul.f32 v6, v0  }
0xe7: {  	s1 =	simm.s32 $0x1000;
	s2 =	simm.s32 $0x200;
	v3 =	vld [tilespmem:s0+$0x4260];
	v7 =	vmul.f32 v7, v0;
	[tilespmem:s0+$0xC270] =	vst v8  }
.LBB2_13:
0xe8: {  	p0 =	sne.s32 s1, $0xF800;
	v8 =	vld [tilespmem:s2+$0x4270];
	[tilespmem:s0+$0xC200] =	vst v6;
	v5 =	vmul.f32 v5, v0  }
0xe9: {  	v6 =	vld [tilespmem:s2+$0x4200];
	[tilespmem:s0+$0xC210] =	vst v7;
	v4 =	vmul.f32 v4, v0  }
0xea: {  	v7 =	vld [tilespmem:s2+$0x4210];
	[tilespmem:s0+$0xC220] =	vst v5;
	v1 =	vmul.f32 v1, v0  }
.Ltmp7:
0xeb: {  	v5 =	vld [tilespmem:s2+$0x4220];
	[tilespmem:s0+$0xC230] =	vst v4;
	v2 =	vmul.f32 v2, v0;
	(pc) =	sbr.rel @p0 .LBB2_13-.Ltmp7, $4  }
0xec: {  	v4 =	vld [tilespmem:s2+$0x4230];
	[tilespmem:s0+$0xC240] =	vst v1;
	v3 =	vmul.f32 v3, v0  }
0xed: {  	v1 =	vld [tilespmem:s2+$0x4240];
	v8 =	vmul.f32 v8, v0;
	[tilespmem:s0+$0xC250] =	vst v2  }
0xee: {  	v6 =	vmul.f32 v6, v0;
	v2 =	vld [tilespmem:s2+$0x4250];
	[tilespmem:s0+$0xC260] =	vst v3;
	s0 =	smov.u32 s2  }
0xef: {  	s2 =	sshra.s32 s1, $0x2;
	s1 =	sadd.s32 $0x800, s1;
	v7 =	vmul.f32 v7, v0;
	v3 =	vld [tilespmem:s0+$0x4260];
	[tilespmem:s0+$0xC270] =	vst v8  }
0xf0: {  	v8 =	vld [tilespmem:s2+$0x4270];
	[tilespmem:s0+$0xC200] =	vst v6;
	v5 =	vmul.f32 v5, v0  }
0xf1: {  	v6 =	vld [tilespmem:s2+$0x4200];
	[tilespmem:s0+$0xC210] =	vst v7;
	v4 =	vmul.f32 v4, v0  }
0xf2: {  	v7 =	vld [tilespmem:s2+$0x4210];
	[tilespmem:s0+$0xC220] =	vst v5;
	v1 =	vmul.f32 v1, v0  }
0xf3: {  	v5 =	vld [tilespmem:s2+$0x4220];
	[tilespmem:s0+$0xC230] =	vst v4;
	v2 =	vmul.f32 v2, v0  }
0xf4: {  	v4 =	vld [tilespmem:s2+$0x4230];
	[tilespmem:s0+$0xC240] =	vst v1;
	v3 =	vmul.f32 v3, v0  }
0xf5: {  	v1 =	vld [tilespmem:s2+$0x4240];
	[tilespmem:s0+$0xC250] =	vst v2;
	v8 =	vmul.f32 v8, v0  }
0xf6: {  	s14 =	sor.u32 $0x6, s30;
	v2 =	vld [tilespmem:s2+$0x4250];
	[tilespmem:s0+$0xC260] =	vst v3;
	v3 =	vmul.f32 v6, v0  }
0xf7: {  	v6 =	vld [tilespmem:s2+$0x4260];
	v7 =	vmul.f32 v7, v0;
	[tilespmem:s2+$0xC270] =	vst v8;
	v8 =	vmov s14  }
0xf8: {  	[tilespmem:s2+$0xC200] =	vst v3;
	v3 =	vmul.f32 v5, v0;
	v5 =	vand.u32 $0xFFFFFFFE, v8  }
0xf9: {  	[tilespmem:s2+$0xC210] =	vst v7;
	v4 =	vmul.f32 v4, v0;
	v5 =	vbroadcast v5, $0x0  }
0xfa: {  	[tilespmem:s2+$0xC220] =	vst v3;
	v1 =	vmul.f32 v1, v0  }
0xfb: {  	[tilespmem:s2+$0xC230] =	vst v4;
	v2 =	vmul.f32 v2, v0  }
0xfc: {  	[tilespmem:s2+$0xC240] =	vst v1;
	v0 =	vmul.f32 v6, v0  }
0xfd: {  	[tilespmem:s2+$0xC250] =	vst v2  }
0xfe: {  	[tilespmem:s2+$0xC260] =	vst v0  }
0xff: {  	s0 =	simm.s32 $0x0;
	v0 =	vld.idx.msk [tilespmem:v5+s20+$0x0], $0xffff  }
0x100: {  	v2 =	vld [tilespmem:s0+$0x42F0]  }
0x101: {  	v6 =	vld [tilespmem:s0+$0x4280]  }
0x102: {  	v7 =	vld [tilespmem:s0+$0x4290]  }
0x103: {  	v5 =	vld [tilespmem:s0+$0x42A0]  }
0x104: {  	v4 =	vld [tilespmem:s0+$0x42B0]  }
0x105: {  	v1 =	vld [tilespmem:s0+$0x42C0];
	v8 =	vmul.f32 v2, v0  }
0x106: {  	v2 =	vld [tilespmem:s0+$0x42D0];
	v6 =	vmul.f32 v6, v0  }
0x107: {  	s1 =	simm.s32 $0x1000;
	s2 =	simm.s32 $0x200;
	v3 =	vld [tilespmem:s0+$0x42E0];
	v7 =	vmul.f32 v7, v0;
	[tilespmem:s0+$0xC2F0] =	vst v8  }
.LBB2_15:
0x108: {  	p0 =	sne.s32 s1, $0xF800;
	v8 =	vld [tilespmem:s2+$0x42F0];
	[tilespmem:s0+$0xC280] =	vst v6;
	v5 =	vmul.f32 v5, v0  }
0x109: {  	v6 =	vld [tilespmem:s2+$0x4280];
	[tilespmem:s0+$0xC290] =	vst v7;
	v4 =	vmul.f32 v4, v0  }
0x10a: {  	v7 =	vld [tilespmem:s2+$0x4290];
	[tilespmem:s0+$0xC2A0] =	vst v5;
	v1 =	vmul.f32 v1, v0  }
.Ltmp8:
0x10b: {  	v5 =	vld [tilespmem:s2+$0x42A0];
	[tilespmem:s0+$0xC2B0] =	vst v4;
	v2 =	vmul.f32 v2, v0;
	(pc) =	sbr.rel @p0 .LBB2_15-.Ltmp8, $4  }
0x10c: {  	v4 =	vld [tilespmem:s2+$0x42B0];
	[tilespmem:s0+$0xC2C0] =	vst v1;
	v3 =	vmul.f32 v3, v0  }
0x10d: {  	v1 =	vld [tilespmem:s2+$0x42C0];
	v8 =	vmul.f32 v8, v0;
	[tilespmem:s0+$0xC2D0] =	vst v2  }
0x10e: {  	v6 =	vmul.f32 v6, v0;
	v2 =	vld [tilespmem:s2+$0x42D0];
	[tilespmem:s0+$0xC2E0] =	vst v3;
	s0 =	smov.u32 s2  }
0x10f: {  	s2 =	sshra.s32 s1, $0x2;
	s1 =	sadd.s32 $0x800, s1;
	v7 =	vmul.f32 v7, v0;
	v3 =	vld [tilespmem:s0+$0x42E0];
	[tilespmem:s0+$0xC2F0] =	vst v8  }
0x110: {  	v8 =	vld [tilespmem:s2+$0x42F0];
	[tilespmem:s0+$0xC280] =	vst v6;
	v5 =	vmul.f32 v5, v0  }
0x111: {  	v6 =	vld [tilespmem:s2+$0x4280];
	[tilespmem:s0+$0xC290] =	vst v7;
	v4 =	vmul.f32 v4, v0  }
0x112: {  	v7 =	vld [tilespmem:s2+$0x4290];
	[tilespmem:s0+$0xC2A0] =	vst v5;
	v1 =	vmul.f32 v1, v0  }
0x113: {  	v5 =	vld [tilespmem:s2+$0x42A0];
	[tilespmem:s0+$0xC2B0] =	vst v4;
	v2 =	vmul.f32 v2, v0  }
0x114: {  	v4 =	vld [tilespmem:s2+$0x42B0];
	[tilespmem:s0+$0xC2C0] =	vst v1;
	v3 =	vmul.f32 v3, v0  }
0x115: {  	v1 =	vld [tilespmem:s2+$0x42C0];
	[tilespmem:s0+$0xC2D0] =	vst v2;
	v8 =	vmul.f32 v8, v0  }
0x116: {  	v2 =	vld [tilespmem:s2+$0x42D0];
	[tilespmem:s0+$0xC2E0] =	vst v3;
	v3 =	vmul.f32 v6, v0  }
0x117: {  	v6 =	vld [tilespmem:s2+$0x42E0];
	v7 =	vmul.f32 v7, v0;
	[tilespmem:s2+$0xC2F0] =	vst v8  }
0x118: {  	[tilespmem:s2+$0xC280] =	vst v3;
	v3 =	vmul.f32 v5, v0  }
0x119: {  	s30 =	sor.u32 $0x7, s30;
	[tilespmem:s2+$0xC290] =	vst v7;
	v4 =	vmul.f32 v4, v0  }
0x11a: {  	[tilespmem:s2+$0xC2A0] =	vst v3;
	v1 =	vmul.f32 v1, v0;
	v3 =	vmov s30  }
0x11b: {  	[tilespmem:s2+$0xC2B0] =	vst v4;
	v2 =	vmul.f32 v2, v0  }
0x11c: {  	[tilespmem:s2+$0xC2C0] =	vst v1;
	v0 =	vmul.f32 v6, v0  }
0x11d: {  	[tilespmem:s2+$0xC2D0] =	vst v2  }
0x11e: {  	[tilespmem:s2+$0xC2E0] =	vst v0  }
0x11f: {  	s0 =	simm.s32 $0x0;
	v0 =	vld.idx.msk [tilespmem:v3+s20+$0x0], $0xffff  }
0x120: {  	v2 =	vld [tilespmem:s0+$0x4370]  }
0x121: {  	v6 =	vld [tilespmem:s0+$0x4300]  }
0x122: {  	v7 =	vld [tilespmem:s0+$0x4310]  }
0x123: {  	v5 =	vld [tilespmem:s0+$0x4320]  }
0x124: {  	v4 =	vld [tilespmem:s0+$0x4330]  }
0x125: {  	v1 =	vld [tilespmem:s0+$0x4340];
	v8 =	vmul.f32 v2, v0  }
0x126: {  	v2 =	vld [tilespmem:s0+$0x4350];
	v6 =	vmul.f32 v6, v0  }
0x127: {  	s1 =	simm.s32 $0x1000;
	s2 =	simm.s32 $0x200;
	v3 =	vld [tilespmem:s0+$0x4360];
	v7 =	vmul.f32 v7, v0;
	[tilespmem:s0+$0xC370] =	vst v8  }
.LBB2_17:
0x128: {  	p0 =	sne.s32 s1, $0xF800;
	v8 =	vld [tilespmem:s2+$0x4370];
	[tilespmem:s0+$0xC300] =	vst v6;
	v5 =	vmul.f32 v5, v0  }
0x129: {  	v6 =	vld [tilespmem:s2+$0x4300];
	[tilespmem:s0+$0xC310] =	vst v7;
	v4 =	vmul.f32 v4, v0  }
0x12a: {  	v7 =	vld [tilespmem:s2+$0x4310];
	[tilespmem:s0+$0xC320] =	vst v5;
	v1 =	vmul.f32 v1, v0  }
.Ltmp9:
0x12b: {  	v5 =	vld [tilespmem:s2+$0x4320];
	[tilespmem:s0+$0xC330] =	vst v4;
	v2 =	vmul.f32 v2, v0;
	(pc) =	sbr.rel @p0 .LBB2_17-.Ltmp9, $4  }
0x12c: {  	v4 =	vld [tilespmem:s2+$0x4330];
	[tilespmem:s0+$0xC340] =	vst v1;
	v3 =	vmul.f32 v3, v0  }
0x12d: {  	v1 =	vld [tilespmem:s2+$0x4340];
	v8 =	vmul.f32 v8, v0;
	[tilespmem:s0+$0xC350] =	vst v2  }
0x12e: {  	v6 =	vmul.f32 v6, v0;
	v2 =	vld [tilespmem:s2+$0x4350];
	[tilespmem:s0+$0xC360] =	vst v3;
	s0 =	smov.u32 s2  }
0x12f: {  	s2 =	sshra.s32 s1, $0x2;
	s1 =	sadd.s32 $0x800, s1;
	v7 =	vmul.f32 v7, v0;
	v3 =	vld [tilespmem:s0+$0x4360];
	[tilespmem:s0+$0xC370] =	vst v8  }
0x130: {  	v8 =	vld [tilespmem:s2+$0x4370];
	[tilespmem:s0+$0xC300] =	vst v6;
	v5 =	vmul.f32 v5, v0  }
0x131: {  	v6 =	vld [tilespmem:s2+$0x4300];
	[tilespmem:s0+$0xC310] =	vst v7;
	v4 =	vmul.f32 v4, v0  }
0x132: {  	v7 =	vld [tilespmem:s2+$0x4310];
	[tilespmem:s0+$0xC320] =	vst v5;
	v1 =	vmul.f32 v1, v0  }
0x133: {  	v5 =	vld [tilespmem:s2+$0x4320];
	[tilespmem:s0+$0xC330] =	vst v4;
	v2 =	vmul.f32 v2, v0  }
0x134: {  	v4 =	vld [tilespmem:s2+$0x4330];
	[tilespmem:s0+$0xC340] =	vst v1;
	v3 =	vmul.f32 v3, v0  }
0x135: {  	v1 =	vld [tilespmem:s2+$0x4340];
	[tilespmem:s0+$0xC350] =	vst v2;
	v8 =	vmul.f32 v8, v0  }
0x136: {  	v2 =	vld [tilespmem:s2+$0x4350];
	[tilespmem:s0+$0xC360] =	vst v3;
	v60 =	vmul.f32 v6, v0  }
0x137: {  	v61 =	vld [tilespmem:s2+$0x4360];
	v7 =	vmul.f32 v7, v0;
	[tilespmem:s2+$0xC370] =	vst v8  }
0x138: {  	[tilespmem:s2+$0xC300] =	vst v60;
	v62 =	vmul.f32 v5, v0  }
0x139: {  	[tilespmem:s2+$0xC310] =	vst v7;
	v4 =	vmul.f32 v4, v0  }
0x13a: {  	[tilespmem:s2+$0xC320] =	vst v62;
	v1 =	vmul.f32 v1, v0  }
.Ltmp10:
0x13b: {  	[tilespmem:s2+$0xC330] =	vst v4;
	v2 =	vmul.f32 v2, v0;
	(pc) =	sbr.rel @p1 .LBB2_20-.Ltmp10, $4  }
0x13c: {  	[tilespmem:s2+$0xC340] =	vst v1;
	v63 =	vmul.f32 v61, v0  }
0x13d: {  	[tilespmem:s2+$0xC350] =	vst v2  }
0x13e: {  	s31 =	sadd.s32 s31, s10;
	[tilespmem:s2+$0xC360] =	vst v63  }
0x13f: {  	[hbm4b:s31+s15] =	stream.strided.scatter [tilespmem:s23], [sflag:$0x4], $0x4000, s16, s15, $0x38;
	[tilespmem:$0x10180] =	vst v63  }
.Ltmp11:
0x140: {  	(pc) =	sbr.rel .LBB2_2-.Ltmp11, $3  }
0x141: {  	_ =	sdelay $0x1  }
0x142: {  	s0 =	sadd.s32 s12, s29;
	s28 =	sadd.s32 $0x1, s28  }
0x143: {  	[tilespmem:s18], [sflag:$0x2] =	stream.strided.gather [hbm4b:s0+s15], $0x4000, s16, s15, $0x38;
	[tilespmem:$0x10180] =	vst v63  }
.LBB2_21:
0x144: {  	_ =	sfence.sel $0x180000  }
0x145: {  	[bflag:$0x0] =	sbarrier.arrive $0xFFFF  }
0x146: {  	_ =	strace $0x90000047  }
0x147: {  	s0 =	stileid.u32;
	[bflag:$0x2] =	sbarrier.arrive $0xFFFF  }
0x148: {  	p0 =	sne.s32 s0, $0x0;
	s0 =	rddreg [dreg:$0x4]  }
0x149: {  	s0 =	sadd.s32 @!p0 $0x100000, s0  }
0x14a: {  	[sflag:s0] =	ssyncadd.tile.s32 @!p0 $0x1;
	_ =	shalt  }
.Lfunc_end2:
_tile_overlayer_lowered:
.L_overlay_start_2:
0x14b: {  	(tag) =	ssettag $0x2  }
0x14c: {  	s0 =	rddreg [dreg:$0x0];
	s2 =	stileid.u32  }
0x14d: {  	s1 =	rddreg [dreg:$0x1];
	p0 =	sne.s32 s2, $0x0  }
0x14e: {  	s3 =	rddreg [dreg:$0x2];
	[bflag:$0x3] =	sbarrier.arrive $0xFFFF;
	s2 =	simm.s32 @!p0 $0x1C05  }
0x14f: {  	[timem:s3], [sflag:s2] =	dma.local @!p0 [hbm:s0], s1  }
0x150: {  	s0 =	simm.s32 @!p0 $0x5  }
0x151: {  	_ =	swait.ge @!p0 [sflag:s0], s1  }
0x152: {  	s1 =	ssub.s32 @!p0 $0x0, s1;
	[sflag:s0] =	ssyncset.done @!p0 $0x0  }
0x153: {  	[sflag:s0] =	ssyncadd.s32 @!p0 s1  }
0x154: {  	[bflag:$0x3] =	sbarrier.arrive $0xFFFF  }
0x155: {  	_ =	shalt  }

</sc_bundles>
